<compile_context>
chip_gen: v7x
topology: tpu7x:2x2x1
jax: 0.10.2.dev20260603
libtpu: 0.0.44.dev20260713+nightly
codegen_flags: <defaults>
</compile_context>

<pallas_src>
import functools

import jax
import jax.numpy as jnp
from jax import lax
from jax.experimental import pallas as pl
from jax.experimental.pallas import tpu as pltpu
from jax.experimental.pallas import tpu_sc as plsc


def _tc_body(z_ref, dW0_ref, db0_ref, dW1_ref, db1_ref, dW2_ref, db2_ref,
             sW0_ref, sb0_ref, sW1_ref, sb1_ref, rW0_ref, rb0_ref, rW1_ref,
             rb1_ref, cb_ref, zl_ref, scaler_ref, redshift_ref, ids_ref,
             losssum_ref):
    z = z_ref[...]

    s_h = jnp.maximum(
        jnp.dot(z, sW0_ref[...], preferred_element_type=jnp.float32)
        + sb0_ref[...], 0.0)
    scaler_ref[...] = (
        jnp.dot(s_h, sW1_ref[...], preferred_element_type=jnp.float32)
        + sb1_ref[...])

    r_h = jnp.maximum(
        jnp.dot(z, rW0_ref[...], preferred_element_type=jnp.float32)
        + rb0_ref[...], 0.0)
    redshift_ref[...] = jnp.maximum(
        jnp.dot(r_h, rW1_ref[...], preferred_element_type=jnp.float32)
        + rb1_ref[...], 0.0)

    h = jnp.maximum(
        jnp.dot(z, dW0_ref[...], preferred_element_type=jnp.float32)
        + db0_ref[...], 0.0)
    h = jnp.maximum(
        jnp.dot(h, dW1_ref[...], preferred_element_type=jnp.float32)
        + db1_ref[...], 0.0)
    zl = (jnp.dot(h, dW2_ref[...], preferred_element_type=jnp.float32)
          + db2_ref[...])
    zl_ref[...] = zl

    cb = cb_ref[...]
    zsq = jnp.sum(zl ** 2, axis=1, keepdims=True)
    csq = jnp.sum(cb ** 2, axis=0, keepdims=True)
    d = (zsq - 2.0 * jnp.dot(zl, cb, preferred_element_type=jnp.float32)
         ) + csq

    kdim = d.shape[1]
    minval = jnp.min(d, axis=1, keepdims=True)
    iota = lax.broadcasted_iota(jnp.int32, d.shape, 1)
    ids_ref[...] = jnp.min(jnp.where(d == minval, iota, kdim), axis=1,
                           keepdims=True)

    partial = jnp.sum(minval)
    nb = pl.num_programs(0)

    @pl.when(pl.program_id(0) == 0)
    def _init():
        losssum_ref[0, 0] = partial

    @pl.when(pl.program_id(0) > 0)
    def _acc():
        losssum_ref[0, 0] += partial

    @pl.when(pl.program_id(0) == nb - 1)
    def _norm():
        total = losssum_ref[0, 0]
        losssum_ref[0, 0] = total / (zl_ref.shape[0] * nb * zl.shape[1])


def _build_tc_call(B, IN, H, D, SH, K, BB, interpret=False):
    nb = B // BB
    grid = (nb,)

    def row_spec(w):
        return pl.BlockSpec((BB, w), lambda i: (i, 0))

    def full_spec(a, b):
        return pl.BlockSpec((a, b), lambda i: (0, 0))

    in_specs = [
        row_spec(IN),
        full_spec(IN, H), full_spec(1, H),
        full_spec(H, H), full_spec(1, H),
        full_spec(H, D), full_spec(1, D),
        full_spec(IN, SH), full_spec(1, SH),
        full_spec(SH, 1), full_spec(1, 1),
        full_spec(IN, SH), full_spec(1, SH),
        full_spec(SH, 1), full_spec(1, 1),
        full_spec(D, K),
    ]
    out_specs = [
        row_spec(D),
        row_spec(1),
        row_spec(1),
        row_spec(1),
        pl.BlockSpec((1, 1), lambda i: (0, 0),
                     memory_space=pltpu.SMEM),
    ]
    out_shape = [
        jax.ShapeDtypeStruct((B, D), jnp.float32),
        jax.ShapeDtypeStruct((B, 1), jnp.float32),
        jax.ShapeDtypeStruct((B, 1), jnp.float32),
        jax.ShapeDtypeStruct((B, 1), jnp.int32),
        jax.ShapeDtypeStruct((1, 1), jnp.float32),
    ]
    return pl.pallas_call(
        _tc_body, grid=grid, in_specs=in_specs, out_specs=out_specs,
        out_shape=out_shape, interpret=interpret)


def _build_sc_gather(B, D, K):
    NC, NS = 2, 16
    NW = NC * NS
    bpw = B // NW
    mesh = plsc.VectorSubcoreMesh(core_axis_name="c", subcore_axis_name="s")

    @functools.partial(
        pl.kernel, mesh=mesh,
        compiler_params=pltpu.CompilerParams(use_tc_tiling_on_sc=False),
        out_type=jax.ShapeDtypeStruct((B, D), jnp.float32),
        scratch_types=[
            pltpu.VMEM((bpw,), jnp.int32),
            pltpu.VMEM((bpw, D), jnp.float32),
            pltpu.SemaphoreType.DMA,
        ],
    )
    def gather_k(table_hbm, idx_hbm, out_hbm, idx_v, rows_v, sem):
        wid = lax.axis_index("s") * NC + lax.axis_index("c")
        base = wid * bpw
        pltpu.sync_copy(idx_hbm.at[pl.ds(base, bpw)], idx_v)
        pltpu.async_copy(table_hbm.at[idx_v], rows_v, sem).wait()
        pltpu.sync_copy(rows_v, out_hbm.at[pl.ds(base, bpw)])

    return gather_k


def kernel(z, dW0, db0, dW1, db1, dW2, db2, sW0, sb0, sW1, sb1, rW0, rb0,
           rW1, rb1, codebook):
    B, _, IN = z.shape
    H = dW0.shape[1]
    D = dW2.shape[1]
    SH = sW0.shape[1]
    K = codebook.shape[1]
    BB = 256

    z2 = z.reshape(B, IN)
    tc = _build_tc_call(B, IN, H, D, SH, K, BB)
    zl, scaler, redshift, ids, losssum = tc(
        z2, dW0, db0.reshape(1, H), dW1, db1.reshape(1, H), dW2,
        db2.reshape(1, D), sW0, sb0.reshape(1, SH), sW1, sb1.reshape(1, 1),
        rW0, rb0.reshape(1, SH), rW1, rb1.reshape(1, 1), codebook)

    ids1 = ids.reshape(B)
    table = codebook.T
    z_q = _build_sc_gather(B, D, K)(table, ids1)

    return (z_q.reshape(B, 1, D), scaler.reshape(B), redshift.reshape(B),
            losssum[0, 0], zl.reshape(B, 1, D), ids1)

# --- scband reference (transcript-rebuilt; emitter-appended) ---
"""Pipeline reference for scband-quantized-decoder-45827301048795 (READ-ONLY COPY).

The authoritative reference and input builder live on the scoring server;
editing this copy changes nothing except your own understanding.
"""

import jax, jax.numpy as jnp
import numpy as np

B = 16384
IN = 512
H = 512
D = 64
K = 8192
SH = 128


def setup_inputs(seed: int = 0) -> dict:
    key = jax.random.key(seed)
    ks = jax.random.split(key, 20)
    inp = {}
    inp['z'] = jax.random.normal(ks[0], (B, 1, IN), dtype=jnp.float32)
    # main quantize decoder: IN -> H -> H -> D (num_hidden_layers=2 -> 3 linear layers)
    inp['dW0'] = jax.random.normal(ks[1], (IN, H), dtype=jnp.float32) * 0.02
    inp['db0'] = jnp.zeros((H,), dtype=jnp.float32)
    inp['dW1'] = jax.random.normal(ks[2], (H, H), dtype=jnp.float32) * 0.02
    inp['db1'] = jnp.zeros((H,), dtype=jnp.float32)
    inp['dW2'] = jax.random.normal(ks[3], (H, D), dtype=jnp.float32) * 0.02
    inp['db2'] = jnp.zeros((D,), dtype=jnp.float32)
    # scaler decoder: IN -> SH -> 1
    inp['sW0'] = jax.random.normal(ks[4], (IN, SH), dtype=jnp.float32) * 0.02
    inp['sb0'] = jnp.zeros((SH,), dtype=jnp.float32)
    inp['sW1'] = jax.random.normal(ks[5], (SH, 1), dtype=jnp.float32) * 0.02
    inp['sb1'] = jnp.zeros((1,), dtype=jnp.float32)
    # redshift decoder: IN -> SH -> 1
    inp['rW0'] = jax.random.normal(ks[6], (IN, SH), dtype=jnp.float32) * 0.02
    inp['rb0'] = jnp.zeros((SH,), dtype=jnp.float32)
    inp['rW1'] = jax.random.normal(ks[7], (SH, 1), dtype=jnp.float32) * 0.02
    inp['rb1'] = jnp.zeros((1,), dtype=jnp.float32)
    # codebook: nn.Embedding(latent_dim, num_embed) -> weight [D, K], columns are codes
    inp['codebook'] = (jax.random.uniform(ks[8], (D, K), dtype=jnp.float32, minval=-1.0 / D, maxval=1.0 / D)) / 10.0
    return inp


def reference(z, dW0, db0, dW1, db1, dW2, db2, sW0, sb0, sW1, sb1, rW0, rb0, rW1, rb1, codebook):
    z0 = z[:, 0]  # [B, IN]
    # scaler decoder
    scaler = (jax.nn.relu(z0 @ sW0 + sb0) @ sW1 + sb1)[..., 0]
    # redshift decoder + ReLU adjust
    redshift = jax.nn.relu((jax.nn.relu(z0 @ rW0 + rb0) @ rW1 + rb1)[..., 0])
    # main decoder on full [B,1,IN]
    h = jax.nn.relu(z @ dW0 + db0)
    h = jax.nn.relu(h @ dW1 + db1)
    zl = h @ dW2 + db2  # [B, 1, D]
    # quantize: find closest codebook column per latent
    z_f = zl.reshape(-1, D)
    dists = jnp.sum(z_f ** 2, axis=1, keepdims=True) - 2.0 * (z_f @ codebook) + jnp.sum(codebook ** 2, axis=0)[None, :]
    min_embed_ids = jnp.argmin(dists, axis=1)  # [B]
    encodings = jax.nn.one_hot(min_embed_ids, K, dtype=z.dtype)  # [B, K]
    z_q = (encodings @ codebook.T).reshape(zl.shape)  # [B, 1, D]
    codebook_loss = jnp.mean((jax.lax.stop_gradient(z_q) - zl) ** 2)
    # straight-through estimator
    z_q_st = zl + jax.lax.stop_gradient(z_q - zl)
    return (z_q_st, scaler, redshift, codebook_loss, zl, min_embed_ids)

if __name__ == "__main__":
    import jax
    _d = setup_inputs()
    print(jax.jit(kernel)(*tuple(_d.values())))

</pallas_src>

<mosaic_0001>
#map = affine_map<(d0, d1) -> (0, 0)>
#map1 = affine_map<(d0, d1) -> (0)>
module attributes {stable_mosaic.version = 14 : i64} {
  func.func @gather_k(%arg0: i32, %arg1: i32, %arg2: memref<8192x64xf32, #tpu.memory_space<hbm>>, %arg3: memref<16384xi32, #tpu.memory_space<hbm>>, %arg4: memref<16384x64xf32, #tpu.memory_space<hbm>>, %arg5: memref<512xi32, #tpu.memory_space<vmem>>, %arg6: memref<512x64xf32, #tpu.memory_space<vmem>>, %arg7: memref<!tpu.dma_semaphore, #tpu.memory_space<semaphore_mem>>) attributes {dimension_semantics = [#tpu.dimension_semantics<core_parallel>, #tpu.dimension_semantics<subcore_parallel>], iteration_bounds = array<i64: 2, 16>, scalar_prefetch = 0 : i64, scratch_operands = 3 : i64, tpu.core_type = #tpu.core_type<sc_vector_subcore>, window_params = [{transform_indices = #map}, {transform_indices = #map1}, {transform_indices = #map}]} {
    %mul3A = arith.constant 2 : i32
    %mul3A_0 = arith.muli %arg1, %mul3A : i32
    %add3A = arith.addi %mul3A_0, %arg0 : i32
    %mul3A_1 = arith.constant 512 : i32
    %mul3A_2 = arith.muli %add3A, %mul3A_1 : i32
    "tpu.region"() ({
      %run_scoped3A = tpu.sem_alloc : memref<!tpu.dma_semaphore, #tpu.memory_space<semaphore_mem>>
      %dma_start3A_7 = tpu.memref_slice %arg3[%mul3A_2] : memref<16384xi32, #tpu.memory_space<hbm>> -> memref<512xi32, #tpu.memory_space<hbm>>
      %dma_start3A_8 = tpu.memref_slice %arg3[%mul3A_2] : memref<16384xi32, #tpu.memory_space<hbm>> -> memref<512xi32, #tpu.memory_space<hbm>>
      tpu.enqueue_dma source(%dma_start3A_8 : memref<512xi32, #tpu.memory_space<hbm>>) target(%arg5 : memref<512xi32, #tpu.memory_space<vmem>>) target_semaphore(%run_scoped3A : memref<!tpu.dma_semaphore, #tpu.memory_space<semaphore_mem>>)
      %dma_wait3A_9 = tpu.memref_slice %arg3[%mul3A_2] : memref<16384xi32, #tpu.memory_space<hbm>> -> memref<512xi32, #tpu.memory_space<hbm>>
      %dma_wait3A_10 = tpu.memref_slice %arg3[%mul3A_2] : memref<16384xi32, #tpu.memory_space<hbm>> -> memref<512xi32, #tpu.memory_space<hbm>>
      tpu.wait_dma2 semaphore(%run_scoped3A : memref<!tpu.dma_semaphore, #tpu.memory_space<semaphore_mem>>) src(%dma_wait3A_10 : memref<512xi32, #tpu.memory_space<hbm>>) dst(%arg5 : memref<512xi32, #tpu.memory_space<vmem>>)
      tpu.yield
    }) : () -> ()
    %dma_start3A = arith.constant 0 : i32
    %dma_start3A_3 = arith.constant 0 : i32
    %dma_start3A_4 = tpu.memref_slice %arg2[%dma_start3A, %dma_start3A_3] : memref<8192x64xf32, #tpu.memory_space<hbm>> -> memref<8192x64xf32, #tpu.memory_space<hbm>>
    tpu.enqueue_indirect_dma source(%dma_start3A_4 : memref<8192x64xf32, #tpu.memory_space<hbm>>) target(%arg6 : memref<512x64xf32, #tpu.memory_space<vmem>>) offsets(%arg5 : memref<512xi32, #tpu.memory_space<vmem>>) semaphore(%arg7 : memref<!tpu.dma_semaphore, #tpu.memory_space<semaphore_mem>>)
    %dma_wait3A = arith.constant 0 : i32
    %dma_wait3A_5 = arith.constant 0 : i32
    %dma_wait3A_6 = tpu.memref_slice %arg2[%dma_wait3A, %dma_wait3A_5] : memref<8192x64xf32, #tpu.memory_space<hbm>> -> memref<8192x64xf32, #tpu.memory_space<hbm>>
    tpu.wait_indirect_dma semaphore(%arg7 : memref<!tpu.dma_semaphore, #tpu.memory_space<semaphore_mem>>) src(%dma_wait3A_6 : memref<8192x64xf32, #tpu.memory_space<hbm>>) dst(%arg6 : memref<512x64xf32, #tpu.memory_space<vmem>>)
    "tpu.region"() ({
      %run_scoped3A = tpu.sem_alloc : memref<!tpu.dma_semaphore, #tpu.memory_space<semaphore_mem>>
      %dma_start3A_7 = arith.constant 0 : i32
      %dma_start3A_8 = tpu.memref_slice %arg4[%mul3A_2, %dma_start3A_7] : memref<16384x64xf32, #tpu.memory_space<hbm>> -> memref<512x64xf32, #tpu.memory_space<hbm>>
      %dma_start3A_9 = arith.constant 0 : i32
      %dma_start3A_10 = tpu.memref_slice %arg4[%mul3A_2, %dma_start3A_9] : memref<16384x64xf32, #tpu.memory_space<hbm>> -> memref<512x64xf32, #tpu.memory_space<hbm>>
      tpu.enqueue_dma source(%arg6 : memref<512x64xf32, #tpu.memory_space<vmem>>) target(%dma_start3A_10 : memref<512x64xf32, #tpu.memory_space<hbm>>) target_semaphore(%run_scoped3A : memref<!tpu.dma_semaphore, #tpu.memory_space<semaphore_mem>>)
      %dma_wait3A_11 = arith.constant 0 : i32
      %dma_wait3A_12 = tpu.memref_slice %arg4[%mul3A_2, %dma_wait3A_11] : memref<16384x64xf32, #tpu.memory_space<hbm>> -> memref<512x64xf32, #tpu.memory_space<hbm>>
      %dma_wait3A_13 = arith.constant 0 : i32
      %dma_wait3A_14 = tpu.memref_slice %arg4[%mul3A_2, %dma_wait3A_13] : memref<16384x64xf32, #tpu.memory_space<hbm>> -> memref<512x64xf32, #tpu.memory_space<hbm>>
      tpu.wait_dma2 semaphore(%run_scoped3A : memref<!tpu.dma_semaphore, #tpu.memory_space<semaphore_mem>>) src(%arg6 : memref<512x64xf32, #tpu.memory_space<vmem>>) dst(%dma_wait3A_14 : memref<512x64xf32, #tpu.memory_space<hbm>>)
      tpu.yield
    }) : () -> ()
    return
  }
}

module attributes {stable_mosaic.version = 14 : i64} {
  func.func @_tc_body(%arg0: i32, %arg1: memref<256x512xf32, #tpu.memory_space<vmem>>, %arg2: memref<512x512xf32, #tpu.memory_space<vmem>>, %arg3: memref<1x512xf32, #tpu.memory_space<vmem>>, %arg4: memref<512x512xf32, #tpu.memory_space<vmem>>, %arg5: memref<1x512xf32, #tpu.memory_space<vmem>>, %arg6: memref<512x64xf32, #tpu.memory_space<vmem>>, %arg7: memref<1x64xf32, #tpu.memory_space<vmem>>, %arg8: memref<512x128xf32, #tpu.memory_space<vmem>>, %arg9: memref<1x128xf32, #tpu.memory_space<vmem>>, %arg10: memref<128x1xf32, #tpu.memory_space<vmem>>, %arg11: memref<1x1xf32, #tpu.memory_space<vmem>>, %arg12: memref<512x128xf32, #tpu.memory_space<vmem>>, %arg13: memref<1x128xf32, #tpu.memory_space<vmem>>, %arg14: memref<128x1xf32, #tpu.memory_space<vmem>>, %arg15: memref<1x1xf32, #tpu.memory_space<vmem>>, %arg16: memref<64x8192xf32, #tpu.memory_space<vmem>>, %arg17: memref<256x64xf32, #tpu.memory_space<vmem>>, %arg18: memref<256x1xf32, #tpu.memory_space<vmem>>, %arg19: memref<256x1xf32, #tpu.memory_space<vmem>>, %arg20: memref<256x1xi32, #tpu.memory_space<vmem>>, %arg21: memref<1x1xf32, #tpu.memory_space<smem>>) attributes {dimension_semantics = [#tpu.dimension_semantics<arbitrary>], iteration_bounds = array<i64: 64>, scalar_prefetch = 0 : i64, scratch_operands = 0 : i64, tpu.core_type = #tpu.core_type<tc>, window_params = [{transform_indices = @transform_0, window_bounds = array<i64: 256, 512>}, {pipeline_mode = #tpu.pipeline_mode<synchronous>, transform_indices = @transform_1, window_bounds = array<i64: 512, 512>}, {pipeline_mode = #tpu.pipeline_mode<synchronous>, transform_indices = @transform_2, window_bounds = array<i64: 1, 512>}, {pipeline_mode = #tpu.pipeline_mode<synchronous>, transform_indices = @transform_3, window_bounds = array<i64: 512, 512>}, {pipeline_mode = #tpu.pipeline_mode<synchronous>, transform_indices = @transform_4, window_bounds = array<i64: 1, 512>}, {pipeline_mode = #tpu.pipeline_mode<synchronous>, transform_indices = @transform_5, window_bounds = array<i64: 512, 64>}, {pipeline_mode = #tpu.pipeline_mode<synchronous>, transform_indices = @transform_6, window_bounds = array<i64: 1, 64>}, {pipeline_mode = #tpu.pipeline_mode<synchronous>, transform_indices = @transform_7, window_bounds = array<i64: 512, 128>}, {pipeline_mode = #tpu.pipeline_mode<synchronous>, transform_indices = @transform_8, window_bounds = array<i64: 1, 128>}, {pipeline_mode = #tpu.pipeline_mode<synchronous>, transform_indices = @transform_9, window_bounds = array<i64: 128, 1>}, {pipeline_mode = #tpu.pipeline_mode<synchronous>, transform_indices = @transform_10, window_bounds = array<i64: 1, 1>}, {pipeline_mode = #tpu.pipeline_mode<synchronous>, transform_indices = @transform_11, window_bounds = array<i64: 512, 128>}, {pipeline_mode = #tpu.pipeline_mode<synchronous>, transform_indices = @transform_12, window_bounds = array<i64: 1, 128>}, {pipeline_mode = #tpu.pipeline_mode<synchronous>, transform_indices = @transform_13, window_bounds = array<i64: 128, 1>}, {pipeline_mode = #tpu.pipeline_mode<synchronous>, transform_indices = @transform_14, window_bounds = array<i64: 1, 1>}, {pipeline_mode = #tpu.pipeline_mode<synchronous>, transform_indices = @transform_15, window_bounds = array<i64: 64, 8192>}, {transform_indices = @transform_16, window_bounds = array<i64: 256, 64>}, {transform_indices = @transform_17, window_bounds = array<i64: 256, 1>}, {transform_indices = @transform_18, window_bounds = array<i64: 256, 1>}, {transform_indices = @transform_19, window_bounds = array<i64: 256, 1>}, {transform_indices = @transform_20, window_bounds = array<i64: 1, 1>}]} {
    %get3A = arith.constant 0 : index
    %get3A_0 = arith.constant 0 : index
    %get3A_1 = vector.load %arg1[%get3A, %get3A_0] : memref<256x512xf32, #tpu.memory_space<vmem>>, vector<256x512xf32>
    %get3A_2 = arith.constant 0 : index
    %get3A_3 = arith.constant 0 : index
    %get3A_4 = vector.load %arg8[%get3A_2, %get3A_3] : memref<512x128xf32, #tpu.memory_space<vmem>>, vector<512x128xf32>
    %dot_general3A = arith.constant dense<0.000000e+00> : vector<256x128xf32>
    %dot_general3A_5 = tpu.matmul %get3A_1, %get3A_4, %dot_general3A {dimension_numbers = #tpu.dot_dimension_numbers<[1], [0], [0], [1], [0, 0, 1, 1], [], []>, transpose_lhs_hint = false} : vector<256x512xf32>, vector<512x128xf32>, vector<256x128xf32> -> vector<256x128xf32>
    %get3A_6 = arith.constant 0 : index
    %get3A_7 = arith.constant 0 : index
    %get3A_8 = vector.load %arg9[%get3A_6, %get3A_7] : memref<1x128xf32, #tpu.memory_space<vmem>>, vector<1x128xf32>
    %add3A = vector.broadcast %get3A_8 : vector<1x128xf32> to vector<256x128xf32>
    %add3A_9 = arith.addf %dot_general3A_5, %add3A : vector<256x128xf32>
    %max3A = arith.constant 0.000000e+00 : f32
    %max3A_10 = vector.broadcast %max3A : f32 to vector<256x128xf32>
    %max3A_11 = arith.maximumf %add3A_9, %max3A_10 : vector<256x128xf32>
    %get3A_12 = arith.constant 0 : index
    %get3A_13 = arith.constant 0 : index
    %get3A_14 = vector.load %arg10[%get3A_12, %get3A_13] : memref<128x1xf32, #tpu.memory_space<vmem>>, vector<128x1xf32>
    %dot_general3A_15 = arith.constant dense<0.000000e+00> : vector<256x1xf32>
    %dot_general3A_16 = tpu.matmul %max3A_11, %get3A_14, %dot_general3A_15 {dimension_numbers = #tpu.dot_dimension_numbers<[1], [0], [0], [1], [0, 0, 1, 1], [], []>, transpose_lhs_hint = false} : vector<256x128xf32>, vector<128x1xf32>, vector<256x1xf32> -> vector<256x1xf32>
    %get3A_17 = arith.constant 0 : index
    %get3A_18 = arith.constant 0 : index
    %get3A_19 = vector.load %arg11[%get3A_17, %get3A_18] : memref<1x1xf32, #tpu.memory_space<vmem>>, vector<1x1xf32>
    %add3A_20 = vector.broadcast %get3A_19 : vector<1x1xf32> to vector<256x1xf32>
    %add3A_21 = arith.addf %dot_general3A_16, %add3A_20 : vector<256x1xf32>
    %swap3A = arith.constant 0 : index
    %swap3A_22 = arith.constant 0 : index
    %swap3A_23 = vector.load %arg18[%swap3A, %swap3A_22] : memref<256x1xf32, #tpu.memory_space<vmem>>, vector<256x1xf32>
    tpu.vector_store %arg18[%swap3A, %swap3A_22], %add3A_21 {strides = array<i32>} : memref<256x1xf32, #tpu.memory_space<vmem>>, vector<256x1xf32>,
    %get3A_24 = arith.constant 0 : index
    %get3A_25 = arith.constant 0 : index
    %get3A_26 = vector.load %arg12[%get3A_24, %get3A_25] : memref<512x128xf32, #tpu.memory_space<vmem>>, vector<512x128xf32>
    %dot_general3A_27 = arith.constant dense<0.000000e+00> : vector<256x128xf32>
    %dot_general3A_28 = tpu.matmul %get3A_1, %get3A_26, %dot_general3A_27 {dimension_numbers = #tpu.dot_dimension_numbers<[1], [0], [0], [1], [0, 0, 1, 1], [], []>, transpose_lhs_hint = false} : vector<256x512xf32>, vector<512x128xf32>, vector<256x128xf32> -> vector<256x128xf32>
    %get3A_29 = arith.constant 0 : index
    %get3A_30 = arith.constant 0 : index
    %get3A_31 = vector.load %arg13[%get3A_29, %get3A_30] : memref<1x128xf32, #tpu.memory_space<vmem>>, vector<1x128xf32>
    %add3A_32 = vector.broadcast %get3A_31 : vector<1x128xf32> to vector<256x128xf32>
    %add3A_33 = arith.addf %dot_general3A_28, %add3A_32 : vector<256x128xf32>
    %max3A_34 = arith.constant 0.000000e+00 : f32
    %max3A_35 = vector.broadcast %max3A_34 : f32 to vector<256x128xf32>
    %max3A_36 = arith.maximumf %add3A_33, %max3A_35 : vector<256x128xf32>
    %get3A_37 = arith.constant 0 : index
    %get3A_38 = arith.constant 0 : index
    %get3A_39 = vector.load %arg14[%get3A_37, %get3A_38] : memref<128x1xf32, #tpu.memory_space<vmem>>, vector<128x1xf32>
    %dot_general3A_40 = arith.constant dense<0.000000e+00> : vector<256x1xf32>
    %dot_general3A_41 = tpu.matmul %max3A_36, %get3A_39, %dot_general3A_40 {dimension_numbers = #tpu.dot_dimension_numbers<[1], [0], [0], [1], [0, 0, 1, 1], [], []>, transpose_lhs_hint = false} : vector<256x128xf32>, vector<128x1xf32>, vector<256x1xf32> -> vector<256x1xf32>
    %get3A_42 = arith.constant 0 : index
    %get3A_43 = arith.constant 0 : index
    %get3A_44 = vector.load %arg15[%get3A_42, %get3A_43] : memref<1x1xf32, #tpu.memory_space<vmem>>, vector<1x1xf32>
    %add3A_45 = vector.broadcast %get3A_44 : vector<1x1xf32> to vector<256x1xf32>
    %add3A_46 = arith.addf %dot_general3A_41, %add3A_45 : vector<256x1xf32>
    %max3A_47 = arith.constant 0.000000e+00 : f32
    %max3A_48 = vector.broadcast %max3A_47 : f32 to vector<256x1xf32>
    %max3A_49 = arith.maximumf %add3A_46, %max3A_48 : vector<256x1xf32>
    %swap3A_50 = arith.constant 0 : index
    %swap3A_51 = arith.constant 0 : index
    %swap3A_52 = vector.load %arg19[%swap3A_50, %swap3A_51] : memref<256x1xf32, #tpu.memory_space<vmem>>, vector<256x1xf32>
    tpu.vector_store %arg19[%swap3A_50, %swap3A_51], %max3A_49 {strides = array<i32>} : memref<256x1xf32, #tpu.memory_space<vmem>>, vector<256x1xf32>,
    %get3A_53 = arith.constant 0 : index
    %get3A_54 = arith.constant 0 : index
    %get3A_55 = vector.load %arg2[%get3A_53, %get3A_54] : memref<512x512xf32, #tpu.memory_space<vmem>>, vector<512x512xf32>
    %dot_general3A_56 = arith.constant dense<0.000000e+00> : vector<256x512xf32>
    %dot_general3A_57 = tpu.matmul %get3A_1, %get3A_55, %dot_general3A_56 {dimension_numbers = #tpu.dot_dimension_numbers<[1], [0], [0], [1], [0, 0, 1, 1], [], []>, transpose_lhs_hint = false} : vector<256x512xf32>, vector<512x512xf32>, vector<256x512xf32> -> vector<256x512xf32>
    %get3A_58 = arith.constant 0 : index
    %get3A_59 = arith.constant 0 : index
    %get3A_60 = vector.load %arg3[%get3A_58, %get3A_59] : memref<1x512xf32, #tpu.memory_space<vmem>>, vector<1x512xf32>
    %add3A_61 = vector.broadcast %get3A_60 : vector<1x512xf32> to vector<256x512xf32>
    %add3A_62 = arith.addf %dot_general3A_57, %add3A_61 : vector<256x512xf32>
    %max3A_63 = arith.constant 0.000000e+00 : f32
    %max3A_64 = vector.broadcast %max3A_63 : f32 to vector<256x512xf32>
    %max3A_65 = arith.maximumf %add3A_62, %max3A_64 : vector<256x512xf32>
    %get3A_66 = arith.constant 0 : index
    %get3A_67 = arith.constant 0 : index
    %get3A_68 = vector.load %arg4[%get3A_66, %get3A_67] : memref<512x512xf32, #tpu.memory_space<vmem>>, vector<512x512xf32>
    %dot_general3A_69 = arith.constant dense<0.000000e+00> : vector<256x512xf32>
    %dot_general3A_70 = tpu.matmul %max3A_65, %get3A_68, %dot_general3A_69 {dimension_numbers = #tpu.dot_dimension_numbers<[1], [0], [0], [1], [0, 0, 1, 1], [], []>, transpose_lhs_hint = false} : vector<256x512xf32>, vector<512x512xf32>, vector<256x512xf32> -> vector<256x512xf32>
    %get3A_71 = arith.constant 0 : index
    %get3A_72 = arith.constant 0 : index
    %get3A_73 = vector.load %arg5[%get3A_71, %get3A_72] : memref<1x512xf32, #tpu.memory_space<vmem>>, vector<1x512xf32>
    %add3A_74 = vector.broadcast %get3A_73 : vector<1x512xf32> to vector<256x512xf32>
    %add3A_75 = arith.addf %dot_general3A_70, %add3A_74 : vector<256x512xf32>
    %max3A_76 = arith.constant 0.000000e+00 : f32
    %max3A_77 = vector.broadcast %max3A_76 : f32 to vector<256x512xf32>
    %max3A_78 = arith.maximumf %add3A_75, %max3A_77 : vector<256x512xf32>
    %get3A_79 = arith.constant 0 : index
    %get3A_80 = arith.constant 0 : index
    %get3A_81 = vector.load %arg6[%get3A_79, %get3A_80] : memref<512x64xf32, #tpu.memory_space<vmem>>, vector<512x64xf32>
    %dot_general3A_82 = arith.constant dense<0.000000e+00> : vector<256x64xf32>
    %dot_general3A_83 = tpu.matmul %max3A_78, %get3A_81, %dot_general3A_82 {dimension_numbers = #tpu.dot_dimension_numbers<[1], [0], [0], [1], [0, 0, 1, 1], [], []>, transpose_lhs_hint = false} : vector<256x512xf32>, vector<512x64xf32>, vector<256x64xf32> -> vector<256x64xf32>
    %get3A_84 = arith.constant 0 : index
    %get3A_85 = arith.constant 0 : index
    %get3A_86 = vector.load %arg7[%get3A_84, %get3A_85] : memref<1x64xf32, #tpu.memory_space<vmem>>, vector<1x64xf32>
    %add3A_87 = vector.broadcast %get3A_86 : vector<1x64xf32> to vector<256x64xf32>
    %add3A_88 = arith.addf %dot_general3A_83, %add3A_87 : vector<256x64xf32>
    %swap3A_89 = arith.constant 0 : index
    %swap3A_90 = arith.constant 0 : index
    %swap3A_91 = vector.load %arg17[%swap3A_89, %swap3A_90] : memref<256x64xf32, #tpu.memory_space<vmem>>, vector<256x64xf32>
    tpu.vector_store %arg17[%swap3A_89, %swap3A_90], %add3A_88 {strides = array<i32>} : memref<256x64xf32, #tpu.memory_space<vmem>>, vector<256x64xf32>,
    %get3A_92 = arith.constant 0 : index
    %get3A_93 = arith.constant 0 : index
    %get3A_94 = vector.load %arg16[%get3A_92, %get3A_93] : memref<64x8192xf32, #tpu.memory_space<vmem>>, vector<64x8192xf32>
    %integer_pow3A = arith.mulf %add3A_88, %add3A_88 : vector<256x64xf32>
    %reduce_sum3A = arith.constant dense<0.000000e+00> : vector<256xf32>
    %reduce_sum3A_95 = vector.multi_reduction <add>, %integer_pow3A, %reduce_sum3A [1] : vector<256x64xf32> to vector<256xf32>
    %broadcast_in_dim3A = vector.shape_cast %reduce_sum3A_95 : vector<256xf32> to vector<256x1xf32>
    %integer_pow3A_96 = arith.mulf %get3A_94, %get3A_94 : vector<64x8192xf32>
    %reduce_sum3A_97 = arith.constant dense<0.000000e+00> : vector<8192xf32>
    %reduce_sum3A_98 = vector.multi_reduction <add>, %integer_pow3A_96, %reduce_sum3A_97 [0] : vector<64x8192xf32> to vector<8192xf32>
    %broadcast_in_dim3A_99 = vector.shape_cast %reduce_sum3A_98 : vector<8192xf32> to vector<1x8192xf32>
    %dot_general3A_100 = arith.constant dense<0.000000e+00> : vector<256x8192xf32>
    %dot_general3A_101 = tpu.matmul %add3A_88, %get3A_94, %dot_general3A_100 {dimension_numbers = #tpu.dot_dimension_numbers<[1], [0], [0], [1], [0, 0, 1, 1], [], []>, transpose_lhs_hint = false} : vector<256x64xf32>, vector<64x8192xf32>, vector<256x8192xf32> -> vector<256x8192xf32>
    %mul3A = arith.constant 2.000000e+00 : f32
    %mul3A_102 = vector.broadcast %mul3A : f32 to vector<256x8192xf32>
    %mul3A_103 = arith.mulf %mul3A_102, %dot_general3A_101 : vector<256x8192xf32>
    %sub3A = vector.broadcast %broadcast_in_dim3A : vector<256x1xf32> to vector<256x8192xf32>
    %sub3A_104 = arith.subf %sub3A, %mul3A_103 : vector<256x8192xf32>
    %add3A_105 = vector.broadcast %broadcast_in_dim3A_99 : vector<1x8192xf32> to vector<256x8192xf32>
    %add3A_106 = arith.addf %sub3A_104, %add3A_105 : vector<256x8192xf32>
    %reduce_min3A = arith.constant dense<0x7F800000> : vector<256xf32>
    %reduce_min3A_107 = vector.multi_reduction <minimumf>, %add3A_106, %reduce_min3A [1] : vector<256x8192xf32> to vector<256xf32>
    %broadcast_in_dim3A_108 = vector.shape_cast %reduce_min3A_107 : vector<256xf32> to vector<256x1xf32>
    %iota3A = tpu.iota {dimensions = array<i32: 1>} : vector<256x8192xi32>
    %eq3A = vector.broadcast %broadcast_in_dim3A_108 : vector<256x1xf32> to vector<256x8192xf32>
    %eq3A_109 = arith.cmpf oeq, %add3A_106, %eq3A : vector<256x8192xf32>
    %jit3A = arith.constant 8192 : i32
    %broadcast_in_dim3A_110 = vector.broadcast %jit3A : i32 to vector<256x8192xi32>
    %select_n3A = arith.select %eq3A_109, %iota3A, %broadcast_in_dim3A_110 : vector<256x8192xi1>, vector<256x8192xi32>
    %reduce_min3A_111 = arith.constant dense<2147483647> : vector<256xi32>
    %reduce_min3A_112 = vector.multi_reduction <minsi>, %select_n3A, %reduce_min3A_111 [1] : vector<256x8192xi32> to vector<256xi32>
    %broadcast_in_dim3A_113 = vector.shape_cast %reduce_min3A_112 : vector<256xi32> to vector<256x1xi32>
    %swap3A_114 = arith.constant 0 : index
    %swap3A_115 = arith.constant 0 : index
    %swap3A_116 = vector.load %arg20[%swap3A_114, %swap3A_115] : memref<256x1xi32, #tpu.memory_space<vmem>>, vector<256x1xi32>
    tpu.vector_store %arg20[%swap3A_114, %swap3A_115], %broadcast_in_dim3A_113 {strides = array<i32>} : memref<256x1xi32, #tpu.memory_space<vmem>>, vector<256x1xi32>,
    %reduce_sum3A_117 = vector.shape_cast %broadcast_in_dim3A_108 : vector<256x1xf32> to vector<1x256x1xf32>
    %reduce_sum3A_118 = arith.constant dense<0.000000e+00> : vector<1xf32>
    %reduce_sum3A_119 = vector.multi_reduction <add>, %reduce_sum3A_117, %reduce_sum3A_118 [1, 2] : vector<1x256x1xf32> to vector<1xf32>
    %reduce_sum3A_120 = vector.shape_cast %reduce_sum3A_119 : vector<1xf32> to vector<1x1x1xf32>
    %reduce_sum3A_121 = vector.extract %reduce_sum3A_120[0, 0, 0] : f32 from vector<1x1x1xf32>
    %eq3A_122 = arith.constant 0 : i32
    %eq3A_123 = arith.cmpi eq, %arg0, %eq3A_122 : i32
    %convert_element_type3A = arith.extui %eq3A_123 : i1 to i32
    %cond3A = arith.constant 0 : i32
    %cond3A_124 = arith.cmpi ne, %convert_element_type3A, %cond3A : i32
    scf.if %cond3A_124 {
      %swap3A_134 = arith.constant 0 : index
      %swap3A_135 = arith.constant 0 : index
      %swap3A_136 = memref.load %arg21[%swap3A_134, %swap3A_135] : memref<1x1xf32, #tpu.memory_space<smem>>
      memref.store %reduce_sum3A_121, %arg21[%swap3A_134, %swap3A_135] : memref<1x1xf32, #tpu.memory_space<smem>>
    } else {
    }
    %gt3A = arith.constant 0 : i32
    %gt3A_125 = arith.cmpi sgt, %arg0, %gt3A : i32
    %convert_element_type3A_126 = arith.extui %gt3A_125 : i1 to i32
    %cond3A_127 = arith.constant 0 : i32
    %cond3A_128 = arith.cmpi ne, %convert_element_type3A_126, %cond3A_127 : i32
    scf.if %cond3A_128 {
      %get3A_134 = arith.constant 0 : index
      %get3A_135 = arith.constant 0 : index
      %get3A_136 = memref.load %arg21[%get3A_134, %get3A_135] : memref<1x1xf32, #tpu.memory_space<smem>>
      %add3A_137 = arith.addf %get3A_136, %reduce_sum3A_121 : f32
      %swap3A_138 = arith.constant 0 : index
      %swap3A_139 = arith.constant 0 : index
      %swap3A_140 = memref.load %arg21[%swap3A_138, %swap3A_139] : memref<1x1xf32, #tpu.memory_space<smem>>
      memref.store %add3A_137, %arg21[%swap3A_138, %swap3A_139] : memref<1x1xf32, #tpu.memory_space<smem>>
    } else {
    }
    %eq3A_129 = arith.constant 63 : i32
    %eq3A_130 = arith.cmpi eq, %arg0, %eq3A_129 : i32
    %convert_element_type3A_131 = arith.extui %eq3A_130 : i1 to i32
    %cond3A_132 = arith.constant 0 : i32
    %cond3A_133 = arith.cmpi ne, %convert_element_type3A_131, %cond3A_132 : i32
    scf.if %cond3A_133 {
      %get3A_134 = arith.constant 0 : index
      %get3A_135 = arith.constant 0 : index
      %get3A_136 = memref.load %arg21[%get3A_134, %get3A_135] : memref<1x1xf32, #tpu.memory_space<smem>>
      %div3A = arith.constant 0x49800000 : f32
      %div3A_137 = arith.divf %get3A_136, %div3A : f32
      %swap3A_138 = arith.constant 0 : index
      %swap3A_139 = arith.constant 0 : index
      %swap3A_140 = memref.load %arg21[%swap3A_138, %swap3A_139] : memref<1x1xf32, #tpu.memory_space<smem>>
      memref.store %div3A_137, %arg21[%swap3A_138, %swap3A_139] : memref<1x1xf32, #tpu.memory_space<smem>>
    } else {
    }
    return
  }
  func.func @transform_0(%arg0: i32) -> (i32, i32) {
    %c0_i32 = arith.constant 0 : i32
    %c0_i32_0 = arith.constant 0 : i32
    return %arg0, %c0_i32 : i32, i32
  }
  func.func @transform_1(%arg0: i32) -> (i32, i32) {
    %c0_i32 = arith.constant 0 : i32
    %c0_i32_0 = arith.constant 0 : i32
    %c0_i32_1 = arith.constant 0 : i32
    return %c0_i32, %c0_i32_0 : i32, i32
  }
  func.func @transform_2(%arg0: i32) -> (i32, i32) {
    %c0_i32 = arith.constant 0 : i32
    %c0_i32_0 = arith.constant 0 : i32
    %c0_i32_1 = arith.constant 0 : i32
    return %c0_i32, %c0_i32_0 : i32, i32
  }
  func.func @transform_3(%arg0: i32) -> (i32, i32) {
    %c0_i32 = arith.constant 0 : i32
    %c0_i32_0 = arith.constant 0 : i32
    %c0_i32_1 = arith.constant 0 : i32
    return %c0_i32, %c0_i32_0 : i32, i32
  }
  func.func @transform_4(%arg0: i32) -> (i32, i32) {
    %c0_i32 = arith.constant 0 : i32
    %c0_i32_0 = arith.constant 0 : i32
    %c0_i32_1 = arith.constant 0 : i32
    return %c0_i32, %c0_i32_0 : i32, i32
  }
  func.func @transform_5(%arg0: i32) -> (i32, i32) {
    %c0_i32 = arith.constant 0 : i32
    %c0_i32_0 = arith.constant 0 : i32
    %c0_i32_1 = arith.constant 0 : i32
    return %c0_i32, %c0_i32_0 : i32, i32
  }
  func.func @transform_6(%arg0: i32) -> (i32, i32) {
    %c0_i32 = arith.constant 0 : i32
    %c0_i32_0 = arith.constant 0 : i32
    %c0_i32_1 = arith.constant 0 : i32
    return %c0_i32, %c0_i32_0 : i32, i32
  }
  func.func @transform_7(%arg0: i32) -> (i32, i32) {
    %c0_i32 = arith.constant 0 : i32
    %c0_i32_0 = arith.constant 0 : i32
    %c0_i32_1 = arith.constant 0 : i32
    return %c0_i32, %c0_i32_0 : i32, i32
  }
  func.func @transform_8(%arg0: i32) -> (i32, i32) {
    %c0_i32 = arith.constant 0 : i32
    %c0_i32_0 = arith.constant 0 : i32
    %c0_i32_1 = arith.constant 0 : i32
    return %c0_i32, %c0_i32_0 : i32, i32
  }
  func.func @transform_9(%arg0: i32) -> (i32, i32) {
    %c0_i32 = arith.constant 0 : i32
    %c0_i32_0 = arith.constant 0 : i32
    %c0_i32_1 = arith.constant 0 : i32
    return %c0_i32, %c0_i32_0 : i32, i32
  }
  func.func @transform_10(%arg0: i32) -> (i32, i32) {
    %c0_i32 = arith.constant 0 : i32
    %c0_i32_0 = arith.constant 0 : i32
    %c0_i32_1 = arith.constant 0 : i32
    return %c0_i32, %c0_i32_0 : i32, i32
  }
  func.func @transform_11(%arg0: i32) -> (i32, i32) {
    %c0_i32 = arith.constant 0 : i32
    %c0_i32_0 = arith.constant 0 : i32
    %c0_i32_1 = arith.constant 0 : i32
    return %c0_i32, %c0_i32_0 : i32, i32
  }
  func.func @transform_12(%arg0: i32) -> (i32, i32) {
    %c0_i32 = arith.constant 0 : i32
    %c0_i32_0 = arith.constant 0 : i32
    %c0_i32_1 = arith.constant 0 : i32
    return %c0_i32, %c0_i32_0 : i32, i32
  }
  func.func @transform_13(%arg0: i32) -> (i32, i32) {
    %c0_i32 = arith.constant 0 : i32
    %c0_i32_0 = arith.constant 0 : i32
    %c0_i32_1 = arith.constant 0 : i32
    return %c0_i32, %c0_i32_0 : i32, i32
  }
  func.func @transform_14(%arg0: i32) -> (i32, i32) {
    %c0_i32 = arith.constant 0 : i32
    %c0_i32_0 = arith.constant 0 : i32
    %c0_i32_1 = arith.constant 0 : i32
    return %c0_i32, %c0_i32_0 : i32, i32
  }
  func.func @transform_15(%arg0: i32) -> (i32, i32) {
    %c0_i32 = arith.constant 0 : i32
    %c0_i32_0 = arith.constant 0 : i32
    %c0_i32_1 = arith.constant 0 : i32
    return %c0_i32, %c0_i32_0 : i32, i32
  }
  func.func @transform_16(%arg0: i32) -> (i32, i32) {
    %c0_i32 = arith.constant 0 : i32
    %c0_i32_0 = arith.constant 0 : i32
    return %arg0, %c0_i32 : i32, i32
  }
  func.func @transform_17(%arg0: i32) -> (i32, i32) {
    %c0_i32 = arith.constant 0 : i32
    %c0_i32_0 = arith.constant 0 : i32
    return %arg0, %c0_i32 : i32, i32
  }
  func.func @transform_18(%arg0: i32) -> (i32, i32) {
    %c0_i32 = arith.constant 0 : i32
    %c0_i32_0 = arith.constant 0 : i32
    return %arg0, %c0_i32 : i32, i32
  }
  func.func @transform_19(%arg0: i32) -> (i32, i32) {
    %c0_i32 = arith.constant 0 : i32
    %c0_i32_0 = arith.constant 0 : i32
    return %arg0, %c0_i32 : i32, i32
  }
  func.func @transform_20(%arg0: i32) -> (i32, i32) {
    %c0_i32 = arith.constant 0 : i32
    %c0_i32_0 = arith.constant 0 : i32
    %c0_i32_1 = arith.constant 0 : i32
    return %c0_i32, %c0_i32_0 : i32, i32
  }
}

</mosaic_0001>

<sc_bundles>
// kernel: kernel.4.cloned.1.call-start
scs
__scs_entry_jumppad:
0x0: {  	(pc) =	sbr.rel $0x88, $3  }
0x1: {  	(tag) =	ssettag $0x0;
	lr =	simm.s32 $0x1  }
0x2: {  	[smem:$0x3F91] =	sst lr;
	_ =	strace $0xD0000000  }
0x3: {  	_ = 	snop  }
0x4: {  	_ = 	snop  }
0x5: {  	_ = 	snop  }
0x6: {  	_ = 	snop  }
0x7: {  	_ = 	snop  }
__scs_overlays_trampoline_lowered:
0x8: {  	[smem:$0x3FA0] =	sst s0  }
0x9: {  	[smem:$0x3FA1] =	sst s1  }
0xa: {  	[smem:$0x3FA2] =	sst s2  }
0xb: {  	[smem:$0x3FA3] =	sst s3  }
0xc: {  	[smem:$0x3FA4] =	sst s4  }
0xd: {  	[smem:$0x3FA5] =	sst s5  }
0xe: {  	[smem:$0x3FA6] =	sst s6  }
0xf: {  	[smem:$0x3FA7] =	sst s7  }
0x10: {  	[smem:$0x3FA8] =	sst s8  }
0x11: {  	[smem:$0x3FA9] =	sst s9;
	s0 =	simm.s32 @!p0 $0x0  }
0x12: {  	s1 =	sld [smem:$0x3F8F];
	s0 =	simm.s32 @p0 $0x1  }
0x13: {  	[smem:$0x3FAA] =	sst s0;
	s0 =	simm.s32 @!p1 $0x0  }
0x14: {  	s2 =	sld [smem:$0x3F8E];
	s0 =	simm.s32 @p1 $0x1  }
0x15: {  	[smem:$0x3FAB] =	sst s0;
	s0 =	simm.s32 @!p2 $0x0  }
0x16: {  	s3 =	sld [smem:$0x3FDB];
	s0 =	simm.s32 @p2 $0x1  }
0x17: {  	s4 =	simm.s32 $0x1BF5;
	[smem:$0x3FAD] =	sst s0  }
0x18: {  	s0 =	sld [smem:$0x3F90];
	_ =	swait.ge [sflag:s4], $0x0  }
0x19: {  	s7 =	sld [smem:$0x3F91]  }
0x1a: {  	s8 =	sadd.s32 $0xFFFFE003, lr  }
0x1b: {  	s9 =	sadd.s32 $0xFFFFFEF7, lr;
	s5 =	simm.s32 $0xFFFFFFFF;
	p2 =	slt.u32 s8, $0xFFFFF086  }
0x1c: {  	p1 =	slt.u32 s9, $0xF7A;
	s5 =	simm.s32 @!p2 $0x0  }
0x1d: {  	s5 =	simm.s32 @p1 $0x1;
	p0 =	seq.s32 s7, s2  }
0x1e: {  	s7 =	smul.u32 @!p0 $0xF7A, s2;
	p2 =	seq.s32 @!p0 s5, $0x0  }
0x1f: {  	s9 =	smul.u32 $0xF7A, s1;
	s8 =	simm.s32 @!p0 $0x1BF5;
	p2 =	por !p2, p0  }
0x20: {  	[sflag:s8] =	ssyncset.s32 @!p0 $0xFFFFF086;
	s6 =	sadd.s32 @!p0 s3, s7;
	s7 =	simm.s32 @!p0 $0x108  }
0x21: {  	s3 =	sadd.s32 s3, s9;
	s6 =	sadd.s32 @!p0 $0x88, s6;
	s7 =	simm.s32 @p2 $0x1082  }
0x22: {  	[simem:s7], [sflag:s8] =	dma.local @!p0 [hbm:s6], $0xF7A  }
0x23: {  	s9 =	sor.u32 $0xD0000000, s2;
	s6 =	simm.s32 $0x108;
	_ =	swait.ge @!p0 [sflag:s8], $0x0  }
0x24: {  	s3 =	sadd.s32 $0x88, s3;
	s6 =	simm.s32 @!p1 $0x1082;
	[sflag:s4] =	ssyncset.s32 $0xFFFFF086  }
0x25: {  	[simem:s6], [sflag:s4] =	dma.local [hbm:s3], $0xF7A  }
0x26: {  	[smem:$0x3F91] =	sst s1;
	(tag) =	ssettag s2;
	_ =	strace s9  }
0x27: {  	s1 =	sld [smem:$0x3FA1]  }
0x28: {  	s2 =	sld [smem:$0x3FA2]  }
0x29: {  	s4 =	sld [smem:$0x3FA4]  }
0x2a: {  	p0 =	seq.s32 s5, $0x0;
	s5 =	sld [smem:$0x3FA5]  }
0x2b: {  	s6 =	sld [smem:$0x3FA6]  }
0x2c: {  	s7 =	sld [smem:$0x3FA7]  }
0x2d: {  	s3 =	simm.s32 $0x108;
	s8 =	sld [smem:$0x3FA8]  }
0x2e: {  	s3 =	simm.s32 @!p0 $0x1082;
	s9 =	sld [smem:$0x3FA9]  }
0x2f: {  	lr =	sadd.s32 s0, s3;
	s0 =	sld [smem:$0x3FA0]  }
0x30: {  	s3 =	sld [smem:$0x3FA3]  }
0x31: {  	[smem:$0x3FAC] =	sst s10  }
0x32: {  	s10 =	sld [smem:$0x3FAA];
	_ =	sdelay $0x3  }
0x33: {  	p0 =	seq.s32 s10, $0x1;
	s10 =	sld [smem:$0x3FAC];
	_ =	sdelay $0x3  }
0x34: {  	[smem:$0x3FAC] =	sst s10  }
0x35: {  	s10 =	sld [smem:$0x3FAB];
	_ =	sdelay $0x3  }
0x36: {  	p1 =	seq.s32 s10, $0x1;
	s10 =	sld [smem:$0x3FAC];
	_ =	sdelay $0x3  }
0x37: {  	[smem:$0x3FAC] =	sst s10  }
0x38: {  	s10 =	sld [smem:$0x3FAD]  }
0x39: {  	_ = 	snop;
	(pc) =	sbr.ind lr, $3  }
0x3a: {  	_ = 	snop  }
0x3b: {  	_ = 	snop  }
0x3c: {  	p2 =	seq.s32 s10, $0x1;
	s10 =	sld [smem:$0x3FAC]  }
0x3d: {  	_ =	shalt  }
0x3e: {  	_ =	shalt  }
0x3f: {  	_ =	shalt  }
0x40: {  	_ =	shalt  }
0x41: {  	_ =	shalt  }
0x42: {  	_ =	shalt  }
0x43: {  	_ =	shalt  }
0x44: {  	_ =	shalt  }
0x45: {  	_ =	shalt  }
0x46: {  	_ =	shalt  }
0x47: {  	_ =	shalt  }
0x48: {  	_ =	shalt  }
0x49: {  	_ =	shalt  }
0x4a: {  	_ =	shalt  }
0x4b: {  	_ =	shalt  }
0x4c: {  	_ =	shalt  }
0x4d: {  	_ =	shalt  }
0x4e: {  	_ =	shalt  }
0x4f: {  	_ =	shalt  }
0x50: {  	_ =	shalt  }
0x51: {  	_ =	shalt  }
0x52: {  	_ =	shalt  }
0x53: {  	_ =	shalt  }
0x54: {  	_ =	shalt  }
0x55: {  	_ =	shalt  }
0x56: {  	_ =	shalt  }
0x57: {  	_ =	shalt  }
0x58: {  	_ =	shalt  }
0x59: {  	_ =	shalt  }
0x5a: {  	_ =	shalt  }
0x5b: {  	_ =	shalt  }
0x5c: {  	_ =	shalt  }
0x5d: {  	_ =	shalt  }
0x5e: {  	_ =	shalt  }
0x5f: {  	_ =	shalt  }
0x60: {  	_ =	shalt  }
0x61: {  	_ =	shalt  }
0x62: {  	_ =	shalt  }
0x63: {  	_ =	shalt  }
0x64: {  	_ =	shalt  }
0x65: {  	_ =	shalt  }
0x66: {  	_ =	shalt  }
0x67: {  	_ =	shalt  }
0x68: {  	_ =	shalt  }
0x69: {  	_ =	shalt  }
0x6a: {  	_ =	shalt  }
0x6b: {  	_ =	shalt  }
0x6c: {  	_ =	shalt  }
0x6d: {  	_ =	shalt  }
0x6e: {  	_ =	shalt  }
0x6f: {  	_ =	shalt  }
0x70: {  	_ =	shalt  }
0x71: {  	_ =	shalt  }
0x72: {  	_ =	shalt  }
0x73: {  	_ =	shalt  }
0x74: {  	_ =	shalt  }
0x75: {  	_ =	shalt  }
0x76: {  	_ =	shalt  }
0x77: {  	_ =	shalt  }
0x78: {  	_ =	shalt  }
0x79: {  	_ =	shalt  }
0x7a: {  	_ =	shalt  }
0x7b: {  	_ =	shalt  }
0x7c: {  	_ =	shalt  }
0x7d: {  	_ =	shalt  }
0x7e: {  	_ =	shalt  }
0x7f: {  	_ =	shalt  }
0x80: {  	_ =	shalt  }
0x81: {  	_ =	shalt  }
0x82: {  	_ =	shalt  }
0x83: {  	_ =	shalt  }
0x84: {  	_ =	shalt  }
0x85: {  	_ =	shalt  }
0x86: {  	_ =	shalt  }
0x87: {  	_ =	shalt  }
.Lfunc_end0:
.L_simem_size_0:
called_computation.1_lowered:
.L_overlay_start_0:
0x88: {  	s2 =	sld [smem:$0x3FD9]  }
0x89: {  	s3 =	sld [smem:$0x3FFE];
	_ =	sdelay $0x1  }
0x8a: {  	s1 =	srdreg.scid  }
0x8b: {  	s0 =	sand.u32 $0x1, s1  }
0x8c: {  	s14 =	sshll.u32 s0, $0xA;
	s2 =	sadd.s32 s3, s2  }
0x8d: {  	s2 =	sadd.s32 s2, s14  }
0x8e: {  	[smem:$0x3FB8] =	sst s2  }
0x8f: {  	_ = 	snop  }
0x90: {  	s2 =	sld [smem:$0x3FD0];
	_ =	sdelay $0x2  }
0x91: {  	s15 =	simm.s32 $0xA;
	s4 =	simm.s32 $0x10  }
0x92: {  	[smem:s4], [sflag:s15] =	dma.local [hbm:s2], $0x1  }
0x93: {  	_ =	swait.eq [sflag:s15], $0x1  }
0x94: {  	[sflag:s15] =	ssyncset.done $0x0  }
0x95: {  	s16 =	sld [smem:$0x10];
	[sflag:s15] =	ssyncadd.s32 $0xFFFFFFFF  }
0x96: {  	s17 =	sld [smem:$0x15];
	(tm) =	ssettm $0x1  }
0x97: {  	s18 =	sld [smem:$0x3FFB];
	_ =	sdelay $0x3  }
0x98: {  	_ =	strace s18  }
0x99: {  	s4 =	sld [smem:$0x3FFC];
	_ =	sdelay $0x3  }
0x9a: {  	_ =	strace s4  }
0x9b: {  	s4 =	sld [smem:$0x3FFD];
	_ =	sdelay $0x3  }
0x9c: {  	_ =	strace s4  }
0x9d: {  	_ =	strace $0x8FFFFFFF  }
0x9e: {  	s19 =	sld [smem:$0x3FDB];
	_ =	sdelay $0x1  }
0x9f: {  	s5 =	simm.s32 $_scs_section_size  }
0xa0: {  	s6 =	simm.s32 $_size__tile_overlayer_lowered;
	s7 =	simm.s32 $_tile_overlayer_lowered  }
0xa1: {  	s22 =	simm.s32 $0x1BFF;
	s21 =	sshll.u32 s7, $0x1;
	s4 =	sadd.s32 s5, s19  }
0xa2: {  	s8 =	simm.s32 $0x0;
	s20 =	sshll.u32 s6, $0x1;
	s6 =	sadd.s32 s21, s4  }
0xa3: {  	[timem:s8], [sflag:s22] =	dma.local [hbm:s6], s20  }
0xa4: {  	_ =	swait.ge [sflag:s22], s20  }
0xa5: {  	s5 =	ssub.s32 $0x0, s20;
	[sflag:s22] =	ssyncset.done $0x0  }
0xa6: {  	[sflag:s22] =	ssyncadd.s32 s5;
	_ =	sdelay $0x1  }
0xa7: {  	s23 =	simm.s32 $0x1B8B  }
0xa8: {  	_ =	swait.ge [sflag:s23], $0x1  }
0xa9: {  	[sflag:s23] =	ssyncset.done $0x0  }
0xaa: {  	s25 =	simm.s32 $0x1B8E;
	s24 =	sld [smem:$0x3FFE];
	[sflag:s23] =	ssyncadd.s32 $0xFFFFFFFF  }
0xab: {  	s26 =	simm.s32 $execute0_lowered;
	[smem:$0x3FD2] =	sst s25  }
0xac: {  	s6 =	sshll.u32 s26, $0x1;
	_ =	strace $0x80000049;
	[dreg:$0x1] =	wrdreg $0xFFFFFFFF  }
0xad: {  	s28 =	simm.s32 $_size_execute0_lowered;
	s4 =	sadd.s32 s4, s6;
	[dreg:$0x0] =	wrdreg $0x0  }
0xae: {  	s6 =	sshll.u32 s28, $0x1;
	[dreg:$0x2] =	wrdreg s4  }
0xaf: {  	[dreg:$0x3] =	wrdreg s6  }
0xb0: {  	[dreg:$0x4] =	wrdreg $0xC0  }
0xb1: {  	_ =	task [dreg:s8], $0x5FFFF  }
0xb2: {  	[dreg:$0x1] =	wrdreg $0xFFFFFFFF  }
0xb3: {  	[dreg:$0x0] =	wrdreg $0x60  }
0xb4: {  	[dreg:$0x2] =	wrdreg s24  }
0xb5: {  	[dreg:$0x3] =	wrdreg s17  }
0xb6: {  	[dreg:$0x4] =	wrdreg s16  }
0xb7: {  	[dreg:$0x5] =	wrdreg $0x9  }
0xb8: {  	_ =	task.clear_ibuf [dreg:s8], $0x6FFFF;
	_ =	strace $0x90000049  }
0xb9: {  	s29 =	simm.s32 $0x9;
	_ =	strace $0x8000004B  }
0xba: {  	_ =	swait.ge [sflag:s29], $0x1  }
0xbb: {  	[sflag:s29] =	ssyncadd.s32 $0xFFFFFFFF  }
0xbc: {  	_ =	strace $0x9000004B  }
0xbd: {  	_ =	sfence  }
0xbe: {  	s30 =	sld [smem:$0x0];
	_ =	sdelay $0x2  }
0xbf: {  	s31 =	sshll.u32 s1, $0xD;
	s1 =	sshrl.u32 s1, $0x2  }
0xc0: {  	s3 =	sand.u32 $0x4000, s31;
	s1 =	sadd.s32 s1, s30  }
0xc1: {  	s0 =	sor.u32 s3, s0;
	s1 =	sshll.u32 s1, $0x11  }
0xc2: {  	s0 =	sor.u32 s1, s0  }
0xc3: {  	s0 =	sadd.s32 $0x8F2B, s0  }
0xc4: {  	[sflag:s0] =	ssyncadd.remote.s32 $0x1  }
0xc5: {  	_ =	sfence.sel $0xFFFF  }
0xc6: {  	[dreg:$0x0] =	wrdreg $0xFFFFFFFF;
	(pc) =	sbr.abs _section_cstart, $3  }
0xc7: {  	[dreg:$0x1] =	wrdreg $0xFFFFFFFF  }
0xc8: {  	_ =	task.clear_ibuf [dreg:s8], $0x2FFFF;
	_ =	strace $0x9FFFFFFF  }
0xc9: {  	(tm) =	ssettm $0x7FFFFFFF  }
tec
execute0_lowered:
.L_overlay_start_1:
0x0: {  	(tag) =	ssettag $0x1  }
0x1: {  	s5 =	rddreg [dreg:$0x0]  }
0x2: {  	s1 =	srdreg.scid;
	s3 =	rddreg [dreg:$0x1]  }
0x3: {  	s0 =	stileid.u32;
	s8 =	rddreg [dreg:$0x2];
	s6 =	sand.u32 $0x1, s1  }
0x4: {  	s2 =	simm.s32 $0x0;
	s4 =	sshll.u32 s0, $0xA;
	s7 =	sshll.u32 s6, $0x9  }
0x5: {  	[smem:$0x7FF] =	sst s2;
	s9 =	sor.u32 s7, s4  }
0x6: {  	s1 =	rddreg [dreg:$0x3];
	_ =	strace $0x8000004A;
	s4 =	sshrl.u32 s9, $0x3  }
0x7: {  	s10 =	ssub.s32 $0x2, s6;
	s4 =	sadd.s32 s3, s4;
	s3 =	simm.s32 $0x2  }
0x8: {  	[tilespmem:s2], [sflag:$0x2] =	stream.linear.gather [hbm4b:s4+s2], $0x200, $0x38;
	[tilespmem:$0x8200] =	vst v63  }
0x9: {  	s5 =	sadd.s32 $0x101C00, s5;
	s11 =	sshrl.u32 s10, $0x1;
	_ =	swait.ge [sflag:s3], $0x200  }
0xa: {  	s6 =	simm.s32 $0x200;
	s10 =	ssub.s32 s10, s11;
	[sflag:s3] =	ssyncset.done $0x0  }
0xb: {  	s7 =	simm.s32 $0x1;
	s31 =	smax.u32 s10, $0x1;
	[sflag:s3] =	ssyncadd.s32 $0xFFFFFE00  }
0xc: {  	[tilespmem:s6], [sflag:$0x1] =	stream.indirect.gather [hbm4b:s5+s6], $0x40, s2, s6, $0xb8;
	[tilespmem:$0x8200] =	vst v63  }
0xd: {  	p0 =	sne.s32 s31, $0x1;
	_ =	swait.ge [sflag:s7], $0x8000  }
.Ltmp0:
0xe: {  	s9 =	sshll.u32 s9, $0x3;
	[sflag:s7] =	ssyncset.done $0x0;
	(pc) =	sbr.rel @!p0 .LBB2_2-.Ltmp0, $4  }
0xf: {  	s8 =	sadd.s32 s8, s9;
	[sflag:s7] =	ssyncadd.s32 $0xFFFF8000  }
0x10: {  	[hbm4b:s8+s2] =	stream.linear.scatter [tilespmem:s6], [sflag:$0x2], $0x8000, $0x38;
	[tilespmem:$0x8200] =	vst v63  }
0x11: {  	_ =	swait.ge [sflag:s3], $0x8000  }
0x12: {  	s9 =	sadd.s32 $0xFFFFFFFF, s31;
	[sflag:s3] =	ssyncset.done $0x0  }
.LBB2_1:
0x13: {  	p0 =	sne.s32 s9, $0x1;
	s9 =	sadd.s32 $0xFFFFFFFF, s9;
	[sflag:s3] =	ssyncadd.s32 $0xFFFF8000  }
0x14: {  	[tilespmem:s2], [sflag:$0x2] =	stream.linear.gather [hbm4b:s4+s2], $0x200, $0x38;
	[tilespmem:$0x8200] =	vst v63  }
0x15: {  	_ =	swait.ge [sflag:s3], $0x200  }
0x16: {  	[sflag:s3] =	ssyncset.done $0x0  }
0x17: {  	[sflag:s3] =	ssyncadd.s32 $0xFFFFFE00  }
0x18: {  	[tilespmem:s6], [sflag:$0x1] =	stream.indirect.gather [hbm4b:s5+s6], $0x40, s2, s6, $0xb8;
	[tilespmem:$0x8200] =	vst v63  }
0x19: {  	_ =	swait.ge [sflag:s7], $0x8000  }
.Ltmp1:
0x1a: {  	[sflag:s7] =	ssyncset.done $0x0;
	(pc) =	sbr.rel @p0 .LBB2_1-.Ltmp1, $4  }
0x1b: {  	[sflag:s7] =	ssyncadd.s32 $0xFFFF8000  }
0x1c: {  	[hbm4b:s8+s2] =	stream.linear.scatter [tilespmem:s6], [sflag:$0x2], $0x8000, $0x38;
	[tilespmem:$0x8200] =	vst v63  }
0x1d: {  	_ =	swait.ge [sflag:s3], $0x8000  }
0x1e: {  	[sflag:s3] =	ssyncset.done $0x0  }
.LBB2_2:
0x1f: {  	[sflag:s3] =	ssyncadd.s32 $0xFFFF8000  }
0x20: {  	_ =	sfence.sel $0x180000  }
0x21: {  	[bflag:$0x0] =	sbarrier.arrive $0xFFFF  }
0x22: {  	p0 =	sne.s32 s0, $0x0;
	_ =	strace $0x9000004A  }
0x23: {  	s0 =	sadd.s32 @!p0 $0x100000, s1;
	[bflag:$0x2] =	sbarrier.arrive $0xFFFF  }
0x24: {  	[sflag:s0] =	ssyncadd.tile.s32 @!p0 $0x1;
	_ =	shalt  }
.Lfunc_end2:
_tile_overlayer_lowered:
.L_overlay_start_2:
0x25: {  	(tag) =	ssettag $0x2  }
0x26: {  	s0 =	rddreg [dreg:$0x0];
	s2 =	stileid.u32  }
0x27: {  	s1 =	rddreg [dreg:$0x1];
	p0 =	sne.s32 s2, $0x0  }
0x28: {  	s3 =	rddreg [dreg:$0x2];
	[bflag:$0x3] =	sbarrier.arrive $0xFFFF;
	s2 =	simm.s32 @!p0 $0x1C02  }
0x29: {  	[timem:s3], [sflag:s2] =	dma.local @!p0 [hbm:s0], s1  }
0x2a: {  	s0 =	simm.s32 @!p0 $0x2  }
0x2b: {  	_ =	swait.ge @!p0 [sflag:s0], s1  }
0x2c: {  	s1 =	ssub.s32 @!p0 $0x0, s1;
	[sflag:s0] =	ssyncset.done @!p0 $0x0  }
0x2d: {  	[sflag:s0] =	ssyncadd.s32 @!p0 s1  }
0x2e: {  	[bflag:$0x3] =	sbarrier.arrive $0xFFFF  }
0x2f: {  	_ =	shalt  }

// kernel: sparse-core-data-format-call.cloned.1.call-start
scs
called_computation_lowered:
.L_overlay_start_0:
0x0: {  	s2 =	sld [smem:$0x3FD9]  }
0x1: {  	s3 =	sld [smem:$0x3FFE];
	_ =	sdelay $0x1  }
0x2: {  	s1 =	srdreg.scid  }
0x3: {  	s0 =	sand.u32 $0x1, s1  }
0x4: {  	s18 =	sshll.u32 s0, $0xA;
	s2 =	sadd.s32 s3, s2  }
0x5: {  	s2 =	sadd.s32 s2, s18  }
0x6: {  	[smem:$0x3FB8] =	sst s2  }
0x7: {  	_ = 	snop  }
0x8: {  	s2 =	sld [smem:$0x3FC9];
	(tm) =	ssettm $0x1  }
0x9: {  	s19 =	sld [smem:$0x3FFB];
	_ =	sdelay $0x3  }
0xa: {  	_ =	strace s19  }
0xb: {  	s3 =	sld [smem:$0x3FFC];
	_ =	sdelay $0x3  }
0xc: {  	_ =	strace s3  }
0xd: {  	s3 =	sld [smem:$0x3FFD];
	_ =	sdelay $0x3  }
0xe: {  	_ =	strace s3  }
0xf: {  	_ =	strace $0x8FFFFFFF  }
0x10: {  	s20 =	sld [smem:$0x3FDB];
	_ =	sdelay $0x1  }
0x11: {  	s4 =	simm.s32 $_scs_section_size  }
0x12: {  	s5 =	simm.s32 $_size__tile_overlayer_lowered;
	s6 =	simm.s32 $_tile_overlayer_lowered  }
0x13: {  	s23 =	simm.s32 $0x1BFF;
	s22 =	sshll.u32 s6, $0x1;
	s3 =	sadd.s32 s4, s20  }
0x14: {  	s7 =	simm.s32 $0x0;
	s21 =	sshll.u32 s5, $0x1;
	s5 =	sadd.s32 s22, s3  }
0x15: {  	[timem:s7], [sflag:s23] =	dma.local [hbm:s5], s21  }
0x16: {  	_ =	swait.ge [sflag:s23], s21  }
0x17: {  	s4 =	ssub.s32 $0x0, s21;
	[sflag:s23] =	ssyncset.done $0x0  }
0x18: {  	[sflag:s23] =	ssyncadd.s32 s4;
	_ =	sdelay $0x1  }
0x19: {  	s24 =	simm.s32 $0x1B8B  }
0x1a: {  	_ =	swait.ge [sflag:s24], $0x1  }
0x1b: {  	[sflag:s24] =	ssyncset.done $0x0  }
0x1c: {  	s26 =	simm.s32 $0x1B8E;
	s25 =	sld [smem:$0x3FFE];
	[sflag:s24] =	ssyncadd.s32 $0xFFFFFFFF  }
0x1d: {  	s27 =	simm.s32 $execute0_lowered;
	[smem:$0x3FD2] =	sst s26  }
0x1e: {  	s5 =	sshll.u32 s27, $0x1;
	_ =	strace $0x80000046;
	[dreg:$0x1] =	wrdreg $0xFFFFFFFF  }
0x1f: {  	s28 =	simm.s32 $_size_execute0_lowered;
	s3 =	sadd.s32 s3, s5;
	[dreg:$0x0] =	wrdreg $0x0  }
0x20: {  	s5 =	sshll.u32 s28, $0x1;
	[dreg:$0x2] =	wrdreg s3  }
0x21: {  	[dreg:$0x3] =	wrdreg s5  }
0x22: {  	[dreg:$0x4] =	wrdreg $0xC0  }
0x23: {  	_ =	task [dreg:s7], $0x5FFFF  }
0x24: {  	[dreg:$0x1] =	wrdreg $0xFFFFFFFF  }
0x25: {  	[dreg:$0x0] =	wrdreg $0x60  }
0x26: {  	[dreg:$0x2] =	wrdreg s2  }
0x27: {  	[dreg:$0x3] =	wrdreg s25  }
0x28: {  	[dreg:$0x4] =	wrdreg $0x9  }
0x29: {  	_ =	task.clear_ibuf [dreg:s7], $0x5FFFF;
	_ =	strace $0x90000046  }
0x2a: {  	s29 =	simm.s32 $0x9;
	_ =	strace $0x80000048  }
0x2b: {  	_ =	swait.ge [sflag:s29], $0x1  }
0x2c: {  	[sflag:s29] =	ssyncadd.s32 $0xFFFFFFFF  }
0x2d: {  	_ =	strace $0x90000048  }
0x2e: {  	_ =	sfence  }
0x2f: {  	s30 =	sld [smem:$0x0];
	_ =	sdelay $0x2  }
0x30: {  	s31 =	sshll.u32 s1, $0xD;
	s1 =	sshrl.u32 s1, $0x2  }
0x31: {  	s3 =	sand.u32 $0x4000, s31;
	s1 =	sadd.s32 s1, s30  }
0x32: {  	s0 =	sor.u32 s3, s0;
	s1 =	sshll.u32 s1, $0x11  }
0x33: {  	s0 =	sor.u32 s1, s0  }
0x34: {  	s0 =	sadd.s32 $0x8F2B, s0  }
0x35: {  	[sflag:s0] =	ssyncadd.remote.s32 $0x1  }
0x36: {  	_ =	sfence.sel $0xFFFF  }
0x37: {  	[dreg:$0x0] =	wrdreg $0xFFFFFFFF;
	(pc) =	sbr.abs _section_cstart, $3  }
0x38: {  	[dreg:$0x1] =	wrdreg $0xFFFFFFFF  }
0x39: {  	_ =	task.clear_ibuf [dreg:s7], $0x2FFFF;
	_ =	strace $0x9FFFFFFF  }
0x3a: {  	(tm) =	ssettm $0x7FFFFFFF  }
0x3b: {  	_ =	shalt  }
tec
execute0_lowered:
.L_overlay_start_1:
0x0: {  	(tag) =	ssettag $0x1  }
0x1: {  	s0 =	srdreg.scid  }
0x2: {  	s1 =	sshll.u32 s0, $0x4  }
0x3: {  	s2 =	rddreg [dreg:$0x0];
	s0 =	stileid.u32;
	s1 =	sand.u32 $0x10, s1  }
0x4: {  	s4 =	rddreg [dreg:$0x1];
	s7 =	simm.s32 $0x1;
	s1 =	sor.u32 s0, s1  }
0x5: {  	s8 =	simm.s32 $0x2;
	s9 =	simm.s32 $0x0;
	s3 =	sshll.u32 s1, $0x5  }
0x6: {  	s12 =	simm.s32 $0x0;
	s11 =	simm.s32 $0x0;
	s6 =	ssub.s32 $0x4000, s3  }
.Ltmp0:
0x7: {  	s4 =	sadd.s32 $0x1C00, s4;
	s5 =	sand.u32 $0x3E0, s6;
	(pc) =	sbr.rel .LBB1_1-.Ltmp0, $4  }
0x8: {  	s1 =	rddreg [dreg:$0x2];
	_ =	strace $0x80000047;
	p0 =	sne.s32 s5, $0x0  }
0x9: {  	s6 =	sshrl.u32 s6, $0xA;
	s5 =	simm.s32 $0x1;
	s7 =	simm.s32 @!p0 $0x0  }
0xa: {  	s10 =	smov.u32 s3;
	[sflag:s5] =	ssyncpa.u1 $0x0;
	s6 =	sadd.s32 s7, s6  }
0xb: {  	[sflag:s8] =	ssyncpa.u1 $0x0;
	s8 =	simm.s32 $0x0;
	s7 =	sadd.s32 $0x1, s6  }
.LBB1_4:
0xc: {  	_ =	sdelay $0x3  }
0xd: {  	[tilespmem:v0+s14+$0xC20 ss:$0x1] =	vst.idx.msk $0xffff, v4  }
0xe: {  	[tilespmem:v0+s14+$0xC30 ss:$0x1] =	vst.idx.msk $0xffff, v7  }
0xf: {  	[tilespmem:v0+s14+$0xC40 ss:$0x1] =	vst.idx.msk $0xffff, v3;
	v41 =	vld [tilespmem:s15+$0xFFFFFF90]  }
0x10: {  	s18 =	sadd.s32 $0x80, s16;
	[tilespmem:s17+$0x0] =	vst v5;
	v42 =	vld [tilespmem:s15+$0xFFFFFFA0]  }
0x11: {  	s27 =	sand.u32 $0x3000, s19;
	[tilespmem:v0+s14+$0xC50 ss:$0x1] =	vst.idx.msk $0xffff, v2;
	v43 =	vld [tilespmem:s15+$0xFFFFFFB0];
	s28 =	sand.u32 $0x380, s18  }
0x12: {  	[tilespmem:v0+s14+$0xC60 ss:$0x1] =	vst.idx.msk $0xffff, v1;
	v44 =	vld [tilespmem:s15+$0xFFFFFFC0];
	s16 =	sor.u32 s28, s27  }
0x13: {  	v45 =	vld [tilespmem:s15+$0xFFFFFFD0];
	[tilespmem:v0+s16+$0xC70 ss:$0x1] =	vst.idx.msk $0xffff, v6  }
0x14: {  	v46 =	vld [tilespmem:s15+$0xFFFFFFE0];
	[tilespmem:v0+s16+$0x410 ss:$0x1] =	vst.idx.msk $0xffff, v41  }
0x15: {  	v47 =	vld [tilespmem:s15+$0xFFFFFFF0];
	[tilespmem:v0+s16+$0x420 ss:$0x1] =	vst.idx.msk $0xffff, v42  }
0x16: {  	v49 =	vld [tilespmem:s15+$0x10];
	[tilespmem:v0+s16+$0x430 ss:$0x1] =	vst.idx.msk $0xffff, v43  }
0x17: {  	v50 =	vld [tilespmem:s15+$0x20];
	[tilespmem:v0+s16+$0x440 ss:$0x1] =	vst.idx.msk $0xffff, v44  }
0x18: {  	v51 =	vld [tilespmem:s15+$0x30];
	[tilespmem:v0+s16+$0x450 ss:$0x1] =	vst.idx.msk $0xffff, v45  }
0x19: {  	v52 =	vld [tilespmem:s15+$0x40];
	[tilespmem:v0+s16+$0x460 ss:$0x1] =	vst.idx.msk $0xffff, v46  }
0x1a: {  	v53 =	vld [tilespmem:s15+$0x50];
	[tilespmem:v0+s16+$0x470 ss:$0x1] =	vst.idx.msk $0xffff, v47  }
0x1b: {  	v54 =	vld [tilespmem:s15+$0x60];
	[tilespmem:v0+s16+$0x810 ss:$0x1] =	vst.idx.msk $0xffff, v49  }
0x1c: {  	v55 =	vld [tilespmem:s15+$0x70];
	[tilespmem:v0+s16+$0x820 ss:$0x1] =	vst.idx.msk $0xffff, v50  }
0x1d: {  	v57 =	vld [tilespmem:s15+$0x90];
	[tilespmem:v0+s16+$0x830 ss:$0x1] =	vst.idx.msk $0xffff, v51  }
0x1e: {  	v58 =	vld [tilespmem:s15+$0xA0];
	[tilespmem:v0+s16+$0x840 ss:$0x1] =	vst.idx.msk $0xffff, v52  }
0x1f: {  	v59 =	vld [tilespmem:s15+$0xB0];
	[tilespmem:v0+s16+$0x850 ss:$0x1] =	vst.idx.msk $0xffff, v53  }
0x20: {  	v60 =	vld [tilespmem:s15+$0xC0];
	[tilespmem:v0+s16+$0x860 ss:$0x1] =	vst.idx.msk $0xffff, v54  }
0x21: {  	v62 =	vld [tilespmem:s15+$0xD0];
	[tilespmem:v0+s16+$0x870 ss:$0x1] =	vst.idx.msk $0xffff, v55  }
0x22: {  	v63 =	vld [tilespmem:s15+$0xE0];
	[tilespmem:v0+s16+$0xC10 ss:$0x1] =	vst.idx.msk $0xffff, v57  }
0x23: {  	v33 =	vld [tilespmem:s15+$0xFFFFFF10];
	[tilespmem:v0+s16+$0xC20 ss:$0x1] =	vst.idx.msk $0xffff, v58  }
0x24: {  	v34 =	vld [tilespmem:s15+$0xFFFFFF20];
	[tilespmem:v0+s16+$0xC30 ss:$0x1] =	vst.idx.msk $0xffff, v59  }
0x25: {  	v35 =	vld [tilespmem:s15+$0xFFFFFF30];
	s29 =	sand.u32 $0x3200, s16;
	[tilespmem:v0+s16+$0xC40 ss:$0x1] =	vst.idx.msk $0xffff, v60  }
0x26: {  	v36 =	vld [tilespmem:s15+$0xFFFFFF40];
	s18 =	sand.u32 $0x180, s18;
	s17 =	sadd.s32 s29, s13;
	[tilespmem:v0+s16+$0xC50 ss:$0x1] =	vst.idx.msk $0xffff, v62  }
0x27: {  	v37 =	vld [tilespmem:s15+$0xFFFFFF50];
	s17 =	sadd.s32 s18, s17;
	[tilespmem:v0+s16+$0xC60 ss:$0x1] =	vst.idx.msk $0xffff, v63  }
0x28: {  	v38 =	vld [tilespmem:s15+$0xFFFFFF60];
	[tilespmem:s17+$0x10] =	vst v33  }
0x29: {  	v39 =	vld [tilespmem:s15+$0xFFFFFF70];
	[tilespmem:s17+$0x20] =	vst v34  }
0x2a: {  	v40 =	vld [tilespmem:s15+$0xFFFFFF80];
	[tilespmem:s17+$0x30] =	vst v35  }
0x2b: {  	v48 =	vld [tilespmem:s15+$0x0];
	[tilespmem:s17+$0x40] =	vst v36  }
0x2c: {  	v56 =	vld [tilespmem:s15+$0x80];
	[tilespmem:s17+$0x50] =	vst v37  }
0x2d: {  	v61 =	vld [tilespmem:s15+$0xFFFFFF00];
	[tilespmem:s17+$0x60] =	vst v38  }
0x2e: {  	s30 =	sshll.u32 s12, $0x9;
	s31 =	sshll.u32 s12, $0x7;
	[tilespmem:s17+$0x70] =	vst v39  }
0x2f: {  	s14 =	sand.u32 $0x7FF000, s30;
	s12 =	sand.u32 $0x380, s31;
	[tilespmem:s17+$0x400] =	vst v40  }
0x30: {  	s12 =	sor.u32 s12, s14;
	[tilespmem:s17+$0x800] =	vst v48  }
0x31: {  	s12 =	sshrl.u32 s12, $0x3;
	[tilespmem:s17+$0xC00] =	vst v56  }
0x32: {  	s12 =	sadd.s32 s4, s12;
	[tilespmem:s17+$0x0] =	vst v61  }
0x33: {  	[hbm4b:s12+s8] =	stream.linear.scatter [tilespmem:s13], [sflag:$0x2], $0x4000, $0x38;
	[tilespmem:$0x10000] =	vst v63  }
.LBB1_5:
0x34: {  	s14 =	sadd.s32 $0x400, s10  }
0x35: {  	p1 =	sgt.s32 s14, $0x3FFF  }
0x36: {  	s14 =	smov.u32 @p1 s3;
	p1 =	sne.s32 s11, s7  }
.Ltmp1:
0x37: {  	p0 =	slt.u32 s11, $0x2;
	(pc) =	sbr.rel @!p1 .LBB1_6-.Ltmp1, $4  }
0x38: {  	s13 =	simm.s32 @!p0 $0x2  }
0x39: {  	s15 =	sadd.s32 $0x1, s11;
	_ =	swait.ge @!p0 [sflag:s13], $0x4000  }
0x3a: {  	s12 =	smov.u32 s10;
	s9 =	sadd.s32 $0x4000, s9;
	[sflag:s13] =	ssyncset.done @!p0 $0x0  }
0x3b: {  	s11 =	smov.u32 s15;
	s10 =	smov.u32 s14;
	[sflag:s13] =	ssyncadd.s32 @!p0 $0xFFFFC000  }
.LBB1_1:
0x3c: {  	p0 =	sge.u32 s11, s6  }
0x3d: {  	s13 =	sxor.u32 @!p0 $0xFFFFFFFF, s11  }
0x3e: {  	s31 =	sadd.s32 $0xFFFFFFFF, s11;
	s14 =	sshll.u32 @!p0 s10, $0x6;
	s13 =	sshll.u32 @!p0 s13, $0xE  }
0x3f: {  	s15 =	simm.s32 @!p0 $0x0;
	s14 =	sadd.s32 @!p0 s2, s14;
	s13 =	sand.u32 @!p0 $0x4000, s13  }
0x40: {  	[tilespmem:s13], [sflag:$0x1] =	stream.linear.gather @!p0 [hbm4b:s14+s15], $0x4000, $0x38;
	[tilespmem:$0x10000] =	vst v63  }
0x41: {  	p0 =	sge.u32 s31, s6  }
.Ltmp2:
0x42: {  	_ = 	snop;
	(pc) =	sbr.rel @p0 .LBB1_5-.Ltmp2, $1  }
0x43: {  	_ =	sdelay $0x3  }
0x44: {  	_ =	swait.ge [sflag:s5], $0x4000  }
0x45: {  	s13 =	sand.u32 $0x4000, s9;
	[sflag:s5] =	ssyncset.done $0x0  }
0x46: {  	s31 =	sshll.u32 s11, $0xE;
	s15 =	sor.u32 $0x100, s13;
	[sflag:s5] =	ssyncadd.s32 $0xFFFFC000  }
0x47: {  	s13 =	sand.u32 $0x4000, s31;
	v1 =	vld [tilespmem:s15+$0xF0]  }
0x48: {  	s13 =	sor.u32 $0x8000, s13;
	v2 =	vld [tilespmem:s15+$0xFFFFFF10]  }
0x49: {  	s16 =	simm.s32 $0x0;
	v0 =	vmov s13;
	v3 =	vld [tilespmem:s15+$0xFFFFFF20]  }
0x4a: {  	s14 =	sand.u32 $0x3000, s16;
	s17 =	sand.u32 $0x380, s16;
	v4 =	vld [tilespmem:s15+$0xFFFFFF30]  }
0x4b: {  	s14 =	sor.u32 s17, s14;
	v5 =	vld [tilespmem:s15+$0xFFFFFF40]  }
0x4c: {  	s17 =	sand.u32 $0x3200, s14;
	v6 =	vld [tilespmem:s15+$0xFFFFFF50]  }
0x4d: {  	s18 =	sand.u32 $0x180, s16;
	v7 =	vld [tilespmem:s15+$0xFFFFFF60];
	s17 =	sadd.s32 s17, s13  }
0x4e: {  	v8 =	vld [tilespmem:s15+$0x70];
	s17 =	sadd.s32 s18, s17;
	[tilespmem:v0+s14+$0xC70 ss:$0x1] =	vst.idx.msk $0xffff, v1  }
0x4f: {  	v9 =	vld [tilespmem:s15+$0x80];
	[tilespmem:s17+$0x10] =	vst v2  }
0x50: {  	v10 =	vld [tilespmem:s15+$0x90];
	[tilespmem:s17+$0x20] =	vst v3  }
0x51: {  	v1 =	vld [tilespmem:s15+$0xFFFFFF70];
	[tilespmem:s17+$0x30] =	vst v4  }
0x52: {  	v2 =	vld [tilespmem:s15+$0xFFFFFF80];
	[tilespmem:s17+$0x40] =	vst v5  }
0x53: {  	v3 =	vld [tilespmem:s15+$0xFFFFFF90];
	[tilespmem:s17+$0x50] =	vst v6  }
0x54: {  	v4 =	vld [tilespmem:s15+$0xFFFFFFA0];
	[tilespmem:s17+$0x60] =	vst v7  }
0x55: {  	v5 =	vld [tilespmem:s15+$0xFFFFFFB0];
	[tilespmem:v0+s14+$0x870 ss:$0x1] =	vst.idx.msk $0xffff, v8  }
0x56: {  	v6 =	vld [tilespmem:s15+$0xFFFFFFC0];
	[tilespmem:s17+$0xC00] =	vst v9  }
0x57: {  	v7 =	vld [tilespmem:s15+$0xFFFFFFD0];
	[tilespmem:v0+s14+$0xC10 ss:$0x1] =	vst.idx.msk $0xffff, v10  }
0x58: {  	[tilespmem:s17+$0x70] =	vst v1;
	v1 =	vld [tilespmem:s15+$0xFFFFFFE0]  }
0x59: {  	[tilespmem:s17+$0x400] =	vst v2;
	v2 =	vld [tilespmem:s15+$0xFFFFFFF0]  }
0x5a: {  	[tilespmem:v0+s14+$0x410 ss:$0x1] =	vst.idx.msk $0xffff, v3;
	v3 =	vld [tilespmem:s15+$0x0]  }
0x5b: {  	[tilespmem:v0+s14+$0x420 ss:$0x1] =	vst.idx.msk $0xffff, v4;
	v4 =	vld [tilespmem:s15+$0x10]  }
0x5c: {  	[tilespmem:v0+s14+$0x430 ss:$0x1] =	vst.idx.msk $0xffff, v5;
	v5 =	vld [tilespmem:s15+$0x20]  }
0x5d: {  	[tilespmem:v0+s14+$0x450 ss:$0x1] =	vst.idx.msk $0xffff, v7;
	v7 =	vld [tilespmem:s15+$0x40]  }
0x5e: {  	[tilespmem:v0+s14+$0x440 ss:$0x1] =	vst.idx.msk $0xffff, v6;
	v6 =	vld [tilespmem:s15+$0x30]  }
0x5f: {  	[tilespmem:v0+s14+$0x460 ss:$0x1] =	vst.idx.msk $0xffff, v1;
	v1 =	vld [tilespmem:s15+$0x50]  }
0x60: {  	[tilespmem:v0+s14+$0x470 ss:$0x1] =	vst.idx.msk $0xffff, v2;
	v2 =	vld [tilespmem:s15+$0x60]  }
0x61: {  	[tilespmem:v0+s14+$0x810 ss:$0x1] =	vst.idx.msk $0xffff, v4;
	v4 =	vld [tilespmem:s15+$0xA0]  }
0x62: {  	[tilespmem:v0+s14+$0x840 ss:$0x1] =	vst.idx.msk $0xffff, v7;
	v7 =	vld [tilespmem:s15+$0xB0]  }
0x63: {  	[tilespmem:s17+$0x800] =	vst v3;
	v3 =	vld [tilespmem:s15+$0xC0]  }
0x64: {  	[tilespmem:v0+s14+$0x820 ss:$0x1] =	vst.idx.msk $0xffff, v5;
	v5 =	vld [tilespmem:s15+$0xFFFFFF00]  }
0x65: {  	[tilespmem:v0+s14+$0x860 ss:$0x1] =	vst.idx.msk $0xffff, v2;
	v2 =	vld [tilespmem:s15+$0xD0]  }
0x66: {  	[tilespmem:v0+s14+$0x850 ss:$0x1] =	vst.idx.msk $0xffff, v1;
	v1 =	vld [tilespmem:s15+$0xE0];
	s15 =	sadd.s32 $0x200, s15  }
0x67: {  	s19 =	simm.s32 $0x200;
	s18 =	simm.s32 $0x400;
	[tilespmem:v0+s14+$0x830 ss:$0x1] =	vst.idx.msk $0xffff, v6;
	v6 =	vld [tilespmem:s15+$0xF0]  }
.LBB1_3:
0x68: {  	p0 =	sne.s32 s18, $0x3E00;
	v8 =	vld [tilespmem:s15+$0xFFFFFF10];
	[tilespmem:v0+s14+$0xC20 ss:$0x1] =	vst.idx.msk $0xffff, v4  }
0x69: {  	s16 =	sadd.s32 $0x80, s16;
	v4 =	vld [tilespmem:s15+$0xFFFFFF20];
	[tilespmem:v0+s14+$0xC30 ss:$0x1] =	vst.idx.msk $0xffff, v7  }
0x6a: {  	s19 =	sand.u32 $0x3000, s19;
	s20 =	sand.u32 $0x380, s16;
	s21 =	sand.u32 $0x180, s16;
	v7 =	vld [tilespmem:s15+$0xFFFFFF30];
	[tilespmem:v0+s14+$0xC40 ss:$0x1] =	vst.idx.msk $0xffff, v3  }
0x6b: {  	s20 =	sor.u32 s20, s19;
	s19 =	smov.u32 s18;
	v3 =	vld [tilespmem:s15+$0xFFFFFF40];
	[tilespmem:s17+$0x0] =	vst v5  }
0x6c: {  	s17 =	sand.u32 $0x3200, s20;
	v5 =	vld [tilespmem:s15+$0xFFFFFF50];
	[tilespmem:v0+s20+$0xC70 ss:$0x1] =	vst.idx.msk $0xffff, v6  }
0x6d: {  	s17 =	sadd.s32 s17, s13;
	v6 =	vld [tilespmem:s15+$0xFFFFFF60];
	[tilespmem:v0+s14+$0xC50 ss:$0x1] =	vst.idx.msk $0xffff, v2  }
0x6e: {  	s17 =	sadd.s32 s21, s17;
	v2 =	vld [tilespmem:s15+$0xFFFFFF70];
	[tilespmem:v0+s14+$0xC60 ss:$0x1] =	vst.idx.msk $0xffff, v1;
	s14 =	smov.u32 s20  }
0x6f: {  	[tilespmem:s17+$0x10] =	vst v8;
	v1 =	vld [tilespmem:s15+$0xFFFFFF80]  }
0x70: {  	[tilespmem:s17+$0x20] =	vst v4;
	v4 =	vld [tilespmem:s15+$0xFFFFFF90]  }
0x71: {  	[tilespmem:s17+$0x30] =	vst v7;
	v7 =	vld [tilespmem:s15+$0xFFFFFFA0]  }
0x72: {  	[tilespmem:s17+$0x40] =	vst v3;
	v3 =	vld [tilespmem:s15+$0xFFFFFFB0]  }
0x73: {  	[tilespmem:s17+$0x50] =	vst v5;
	v5 =	vld [tilespmem:s15+$0xFFFFFFC0]  }
0x74: {  	[tilespmem:s17+$0x60] =	vst v6;
	v6 =	vld [tilespmem:s15+$0xFFFFFFD0]  }
0x75: {  	[tilespmem:s17+$0x70] =	vst v2;
	v2 =	vld [tilespmem:s15+$0xFFFFFFE0]  }
0x76: {  	[tilespmem:s17+$0x400] =	vst v1;
	v1 =	vld [tilespmem:s15+$0xFFFFFFF0]  }
0x77: {  	[tilespmem:v0+s14+$0x410 ss:$0x1] =	vst.idx.msk $0xffff, v4;
	v4 =	vld [tilespmem:s15+$0x0]  }
0x78: {  	[tilespmem:v0+s14+$0x420 ss:$0x1] =	vst.idx.msk $0xffff, v7;
	v7 =	vld [tilespmem:s15+$0x10]  }
0x79: {  	[tilespmem:v0+s14+$0x430 ss:$0x1] =	vst.idx.msk $0xffff, v3;
	v3 =	vld [tilespmem:s15+$0x20]  }
0x7a: {  	[tilespmem:v0+s14+$0x440 ss:$0x1] =	vst.idx.msk $0xffff, v5;
	v5 =	vld [tilespmem:s15+$0x30]  }
0x7b: {  	[tilespmem:v0+s14+$0x450 ss:$0x1] =	vst.idx.msk $0xffff, v6;
	v6 =	vld [tilespmem:s15+$0x40]  }
0x7c: {  	[tilespmem:v0+s14+$0x460 ss:$0x1] =	vst.idx.msk $0xffff, v2;
	v2 =	vld [tilespmem:s15+$0x50]  }
0x7d: {  	[tilespmem:v0+s14+$0x470 ss:$0x1] =	vst.idx.msk $0xffff, v1;
	v1 =	vld [tilespmem:s15+$0x60]  }
0x7e: {  	[tilespmem:s17+$0x800] =	vst v4;
	v8 =	vld [tilespmem:s15+$0x70]  }
0x7f: {  	[tilespmem:v0+s14+$0x810 ss:$0x1] =	vst.idx.msk $0xffff, v7;
	v9 =	vld [tilespmem:s15+$0x80]  }
0x80: {  	[tilespmem:v0+s14+$0x820 ss:$0x1] =	vst.idx.msk $0xffff, v3;
	v10 =	vld [tilespmem:s15+$0x90]  }
0x81: {  	[tilespmem:v0+s14+$0x830 ss:$0x1] =	vst.idx.msk $0xffff, v5;
	v4 =	vld [tilespmem:s15+$0xA0]  }
0x82: {  	[tilespmem:v0+s14+$0x840 ss:$0x1] =	vst.idx.msk $0xffff, v6;
	v7 =	vld [tilespmem:s15+$0xB0]  }
.Ltmp3:
0x83: {  	[tilespmem:v0+s14+$0x850 ss:$0x1] =	vst.idx.msk $0xffff, v2;
	v3 =	vld [tilespmem:s15+$0xC0];
	(pc) =	sbr.rel @p0 .LBB1_3-.Ltmp3, $4  }
0x84: {  	[tilespmem:v0+s14+$0x860 ss:$0x1] =	vst.idx.msk $0xffff, v1;
	v2 =	vld [tilespmem:s15+$0xD0]  }
0x85: {  	[tilespmem:v0+s14+$0x870 ss:$0x1] =	vst.idx.msk $0xffff, v8;
	v1 =	vld [tilespmem:s15+$0xE0]  }
0x86: {  	v5 =	vld [tilespmem:s15+$0xFFFFFF00];
	[tilespmem:s17+$0xC00] =	vst v9;
	s15 =	sadd.s32 $0x200, s15  }
0x87: {  	s18 =	sadd.s32 $0x200, s18;
	v6 =	vld [tilespmem:s15+$0xF0];
	[tilespmem:v0+s14+$0xC10 ss:$0x1] =	vst.idx.msk $0xffff, v10  }
.Ltmp4:
0x88: {  	_ = 	snop;
	(pc) =	sbr.rel .LBB1_4-.Ltmp4, $1  }
0x89: {  	_ =	sdelay $0x3  }
.LBB1_6:
0x8a: {  	_ =	sfence.sel $0x180000  }
0x8b: {  	s2 =	simm.s32 $0x1;
	[bflag:$0x0] =	sbarrier.arrive $0xFFFF  }
0x8c: {  	s31 =	simm.s32 $0x2;
	[sflag:s2] =	ssyncpa.u1 $0x1  }
0x8d: {  	[sflag:s31] =	ssyncpa.u1 $0x1  }
0x8e: {  	p0 =	sne.s32 s0, $0x0;
	_ =	strace $0x90000047  }
0x8f: {  	s0 =	sadd.s32 @!p0 $0x100000, s1;
	[bflag:$0x2] =	sbarrier.arrive $0xFFFF  }
0x90: {  	[sflag:s0] =	ssyncadd.tile.s32 @!p0 $0x1;
	_ =	shalt  }
.Lfunc_end1:
_tile_overlayer_lowered:
.L_overlay_start_2:
0x91: {  	(tag) =	ssettag $0x2  }
0x92: {  	s0 =	rddreg [dreg:$0x0];
	s2 =	stileid.u32  }
0x93: {  	s1 =	rddreg [dreg:$0x1];
	p0 =	sne.s32 s2, $0x0  }
0x94: {  	s3 =	rddreg [dreg:$0x2];
	[bflag:$0x3] =	sbarrier.arrive $0xFFFF;
	s2 =	simm.s32 @!p0 $0x1C01  }
0x95: {  	[timem:s3], [sflag:s2] =	dma.local @!p0 [hbm:s0], s1  }
0x96: {  	s0 =	simm.s32 @!p0 $0x1  }
0x97: {  	_ =	swait.ge @!p0 [sflag:s0], s1  }
0x98: {  	s1 =	ssub.s32 @!p0 $0x0, s1;
	[sflag:s0] =	ssyncset.done @!p0 $0x0  }
0x99: {  	[sflag:s0] =	ssyncadd.s32 @!p0 s1  }
0x9a: {  	[bflag:$0x3] =	sbarrier.arrive $0xFFFF  }
0x9b: {  	_ =	shalt  }

</sc_bundles>
